<compile_context>
chip_gen: v7x
topology: tpu7x:2x2x1
jax: 0.10.2.dev20260603
libtpu: 0.0.44.dev20260713+nightly
codegen_flags: <defaults>
</compile_context>

<pallas_src>
import functools

import jax
import jax.numpy as jnp
from jax import lax
from jax.experimental import pallas as pl
from jax.experimental.pallas import tpu as pltpu
from jax.experimental.pallas import tpu_sc as plsc

_B = 2
_C = 64
_D = 64
_N = 100000
_S = _B * _D * _D * _D
_SPB = _D * _D * _D
_NT = 16
_SLOTS_T = _SPB // _NT
_NPAD = 100352
_SENT = _N
_NP2 = 102400
_CH = 2048
_NCHUNK = _NP2 // _CH
_GRP = _CH // 16
_CS = 2048
_CPP = _SPB // _CS
_PLANES = 4
_NCK = _PLANES * _CPP
_TB = 1024


def _tc_transpose_body(x_ref, o_ref):
    i = pl.program_id(0)
    rows = jax.lax.broadcasted_iota(jnp.int32, (_TB, _C), 0) + i * _TB
    x = jnp.where(rows < _N, x_ref[...], 0.0)
    o_ref[...] = x.T


def _transpose_features(features):
    return pl.pallas_call(
        _tc_transpose_body,
        grid=(_NPAD // _TB,),
        in_specs=[pl.BlockSpec((_TB, _C), lambda i: (i, 0))],
        out_specs=pl.BlockSpec((_C, _TB), lambda i: (0, i)),
        out_shape=jax.ShapeDtypeStruct((_C, _NPAD), jnp.float32),
    )(features)


def _sc_body(dest, featT, out, m_out, mloc, mb0, mb1, mb2, mb3,
             ob0, ob1, row, semm0, semm1, semm2, semm3, semo0, semo1):
    sc = lax.axis_index("c")
    tid = lax.axis_index("s")
    mybase = sc * _SPB + tid * _SLOTS_T

    iota = lax.iota(jnp.int32, 16)
    sent = jnp.full((16,), _SENT, dtype=jnp.int32)

    def build_pass():
        lo = mybase

        def init(i, _):
            for u in range(8):
                mloc[pl.ds((i * 8 + u) * 16, 16)] = sent
            return 0

        lax.fori_loop(0, _SLOTS_T // 128, init, 0)

        def consume(t, dbuf):
            off = t * _CH

            def grp(i, _):
                ds = [dbuf[pl.ds((i * 4 + u) * 16, 16)] for u in range(4)]
                for u in range(4):
                    loc = ds[u] - lo
                    ok = (loc >= 0) & (loc < _SLOTS_T)
                    locc = loc & (_SLOTS_T - 1)
                    pidx = iota + (off + (i * 4 + u) * 16)
                    plsc.store_scatter(mloc, [locc], pidx, mask=ok)
                return 0

            lax.fori_loop(0, _GRP // 4, grp, 0)

        pltpu.async_copy(dest.at[pl.ds(0, _CH)], mb0, semm0)
        pltpu.async_copy(dest.at[pl.ds(_CH, _CH)], mb1, semm1)

        def pair(kk, _):
            t0 = kk * 2
            pltpu.make_async_copy(dest.at[pl.ds(0, _CH)], mb0, semm0).wait()
            consume(t0, mb0)

            @pl.when(t0 + 2 < _NCHUNK)
            def _():
                pltpu.async_copy(dest.at[pl.ds((t0 + 2) * _CH, _CH)], mb0,
                                 semm0)

            pltpu.make_async_copy(dest.at[pl.ds(0, _CH)], mb1, semm1).wait()
            consume(t0 + 1, mb1)

            @pl.when(t0 + 3 < _NCHUNK)
            def _():
                pltpu.async_copy(dest.at[pl.ds((t0 + 3) * _CH, _CH)], mb1,
                                 semm1)

            return 0

        lax.fori_loop(0, _NCHUNK // 2, pair, 0)
        pltpu.sync_copy(mloc, m_out.at[pl.ds(lo, _SLOTS_T)])

    with jax.named_scope("build"):
        build_pass()
        plsc.subcore_barrier()

    mbs = (mb0, mb1, mb2, mb3)
    semms = (semm0, semm1, semm2, semm3)
    obs = (ob0, ob1)
    semos = (semo0, semo1)

    def m_src(k):
        q = k & (_CPP - 1)
        return m_out.at[pl.ds(sc * _SPB + q * _CS, _CS)]

    def plane_of(k):
        return lax.div(k, _CPP)

    def emit(k, mbuf, obuf, semo):
        @pl.when((k & (_CPP - 1)) == 0)
        def _():
            with jax.named_scope("row"):
                c = tid * _PLANES + plane_of(k)
                pltpu.sync_copy(featT.at[pl.ds(c * _NPAD, _NPAD)], row)

        with jax.named_scope("gat"):
            @plsc.parallel_loop(0, 32, step=1, unroll=16)
            def gather(r):
                for u4 in range(4):
                    idx = mbuf[pl.ds(r * 64 + u4 * 16, 16)]
                    obuf[r, pl.ds(u4 * 16, 16)] = plsc.load_gather(row,
                                                                   [idx])

        c = tid * _PLANES + plane_of(k)
        q = k & (_CPP - 1)
        pltpu.async_copy(
            obuf, out.at[sc, c, q >> 1, pl.ds((q & 1) * 32, 32)], semo)

    def o_drain(obuf, semo):
        pltpu.make_async_copy(obuf, out.at[sc, 0, 0, pl.ds(0, 32)],
                              semo).wait()

    for u in range(4):
        pltpu.async_copy(m_src(u), mbs[u], semms[u])

    def chunk_quad(kk, _):
        k0 = kk * 4
        for u in range(4):
            k = k0 + u
            with jax.named_scope("m_wait"):
                pltpu.make_async_copy(m_src(0), mbs[u], semms[u]).wait()

            if u < 2:
                @pl.when(kk > 0)
                def _():
                    with jax.named_scope("odrain"):
                        o_drain(obs[u & 1], semos[u & 1])
            else:
                with jax.named_scope("odrain"):
                    o_drain(obs[u & 1], semos[u & 1])

            emit(k, mbs[u], obs[u & 1], semos[u & 1])

            @pl.when(k + 4 < _NCK)
            def _():
                pltpu.async_copy(m_src(k + 4), mbs[u], semms[u])

        return 0

    lax.fori_loop(0, _NCK // 4, chunk_quad, 0)
    o_drain(ob0, semo0)
    o_drain(ob1, semo1)


@functools.cache
def _build_sc():
    @functools.partial(
        pl.kernel,
        out_type=(
            jax.ShapeDtypeStruct((_B, _C, _D, _D, _D), jnp.float32),
            jax.ShapeDtypeStruct((_S,), jnp.int32),
        ),
        mesh=plsc.VectorSubcoreMesh(core_axis_name="c", subcore_axis_name="s"),
        compiler_params=pltpu.CompilerParams(needs_layout_passes=False,
                                             use_tc_tiling_on_sc=False),
        scratch_types=[
            pltpu.VMEM((_SLOTS_T,), jnp.int32),
            pltpu.VMEM((_CS,), jnp.int32),
            pltpu.VMEM((_CS,), jnp.int32),
            pltpu.VMEM((_CS,), jnp.int32),
            pltpu.VMEM((_CS,), jnp.int32),
            pltpu.VMEM((32, 64), jnp.float32),
            pltpu.VMEM((32, 64), jnp.float32),
            pltpu.VMEM((_NPAD,), jnp.float32),
            pltpu.SemaphoreType.DMA,
            pltpu.SemaphoreType.DMA,
            pltpu.SemaphoreType.DMA,
            pltpu.SemaphoreType.DMA,
            pltpu.SemaphoreType.DMA,
            pltpu.SemaphoreType.DMA,
        ],
    )
    def _sparse_to_dense(dest, featT, out, m_out, *scratch):
        _sc_body(dest, featT, out, m_out, *scratch)

    return _sparse_to_dense


def kernel(features, batch_idx, coords):
    dest = ((batch_idx * _D + coords[:, 0]) * _D + coords[:, 1]) * _D \
        + coords[:, 2]
    dest = jnp.concatenate(
        [dest, jnp.full((_NP2 - _N,), _S, dtype=jnp.int32)])
    featT = _transpose_features(features).reshape(-1)
    dense, _ = _build_sc()(dest.astype(jnp.int32), featT)
    return dense

# --- scband reference (transcript-rebuilt; emitter-appended) ---
"""Pipeline reference for scband-sparse-to-dense-21586505630242 (READ-ONLY COPY).

The authoritative reference and input builder live on the scoring server;
editing this copy changes nothing except your own understanding.
"""

import jax, jax.numpy as jnp
import numpy as np

B = 2
C = 64
D = 64
N = 100000


def setup_inputs(seed: int = 0) -> dict:
    key = jax.random.key(seed)
    k1, k2, k3 = jax.random.split(key, 3)
    features = jax.random.normal(k1, (N, C), dtype=jnp.float32)
    batch_idx = jax.random.randint(k2, (N,), 0, B, dtype=jnp.int32)
    coords = jax.random.randint(k3, (N, 3), 0, D, dtype=jnp.int32)
    return {"features": features, "batch_idx": batch_idx, "coords": coords}


def reference(features, batch_idx, coords):
    # ME.SparseTensor.dense(): scatter sparse features into a dense
    # tensor of shape [B, C, X, Y, Z] at the given coordinates
    # (scatter-overwrite; ME coordinates are unique per batch).
    dense = jnp.zeros((B, C, D, D, D), dtype=features.dtype)
    dense = dense.at[batch_idx, :, coords[:, 0], coords[:, 1], coords[:, 2]].set(features)
    return dense

if __name__ == "__main__":
    import jax
    _d = setup_inputs()
    print(jax.jit(kernel)(*tuple(_d.values())))

</pallas_src>

<mosaic_0001>
#map = affine_map<(d0, d1) -> (0)>
#map1 = affine_map<(d0, d1) -> (0, 0, 0, 0, 0)>
module attributes {stable_mosaic.version = 14 : i64} {
  func.func @_sparse_to_dense(%arg0: i32, %arg1: i32, %arg2: memref<102400xi32, #tpu.memory_space<hbm>>, %arg3: memref<6422528xf32, #tpu.memory_space<hbm>>, %arg4: memref<2x64x64x64x64xf32, #tpu.memory_space<hbm>>, %arg5: memref<524288xi32, #tpu.memory_space<hbm>>, %arg6: memref<16384xi32, #tpu.memory_space<vmem>>, %arg7: memref<2048xi32, #tpu.memory_space<vmem>>, %arg8: memref<2048xi32, #tpu.memory_space<vmem>>, %arg9: memref<2048xi32, #tpu.memory_space<vmem>>, %arg10: memref<2048xi32, #tpu.memory_space<vmem>>, %arg11: memref<32x64xf32, #tpu.memory_space<vmem>>, %arg12: memref<32x64xf32, #tpu.memory_space<vmem>>, %arg13: memref<100352xf32, #tpu.memory_space<vmem>>, %arg14: memref<!tpu.dma_semaphore, #tpu.memory_space<semaphore_mem>>, %arg15: memref<!tpu.dma_semaphore, #tpu.memory_space<semaphore_mem>>, %arg16: memref<!tpu.dma_semaphore, #tpu.memory_space<semaphore_mem>>, %arg17: memref<!tpu.dma_semaphore, #tpu.memory_space<semaphore_mem>>, %arg18: memref<!tpu.dma_semaphore, #tpu.memory_space<semaphore_mem>>, %arg19: memref<!tpu.dma_semaphore, #tpu.memory_space<semaphore_mem>>) attributes {dimension_semantics = [#tpu.dimension_semantics<core_parallel>, #tpu.dimension_semantics<subcore_parallel>], iteration_bounds = array<i64: 2, 16>, scalar_prefetch = 0 : i64, scratch_operands = 14 : i64, tpu.core_type = #tpu.core_type<sc_vector_subcore>, window_params = [{transform_indices = #map}, {transform_indices = #map}, {transform_indices = #map1}, {transform_indices = #map}]} {
    %mul3A = arith.constant 262144 : i32
    %mul3A_0 = arith.muli %arg0, %mul3A : i32
    %mul3A_1 = arith.constant 16384 : i32
    %mul3A_2 = arith.muli %arg1, %mul3A_1 : i32
    %add3A = arith.addi %mul3A_0, %mul3A_2 : i32
    %iota3A = tpu.iota {dimensions = array<i32: 0>} : vector<16xi32>
    %broadcast_in_dim3A = arith.constant 100000 : i32
    %broadcast_in_dim3A_3 = vector.broadcast %broadcast_in_dim3A : i32 to vector<16xi32>
    "tpu.trace_start"() <{level = 10 : i32, message = "build"}> : () -> ()
    %scan3A = arith.constant 0 : i32
    %scan3A_4 = arith.constant 0 : i32
    %scan3A_5 = arith.constant 128 : i32
    %scan3A_6 = arith.addi %scan3A_4, %scan3A_5 : i32
    %scan3A_7 = arith.constant 1 : i32
    %scan3A_8 = scf.for %scan3A_74 = %scan3A_4 to %scan3A_6 step %scan3A_7 iter_args(%scan3A_75 = %scan3A) -> (i32)  : i32 {
      %mul3A_76 = arith.constant 8 : i32
      %mul3A_77 = arith.muli %scan3A_74, %mul3A_76 : i32
      %add3A_78 = arith.constant 0 : i32
      %add3A_79 = arith.addi %mul3A_77, %add3A_78 : i32
      %mul3A_80 = arith.constant 16 : i32
      %mul3A_81 = arith.muli %add3A_79, %mul3A_80 : i32
      %swap3A = arith.index_cast %mul3A_81 : i32 to index
      %swap3A_82 = tpu.vector_load %arg6[%swap3A] {strides = array<i32>} : memref<16384xi32, #tpu.memory_space<vmem>>, vector<16xi32>,
      tpu.vector_store %arg6[%swap3A], %broadcast_in_dim3A_3 {strides = array<i32>} : memref<16384xi32, #tpu.memory_space<vmem>>, vector<16xi32>,
      %mul3A_83 = arith.constant 8 : i32
      %mul3A_84 = arith.muli %scan3A_74, %mul3A_83 : i32
      %add3A_85 = arith.constant 1 : i32
      %add3A_86 = arith.addi %mul3A_84, %add3A_85 : i32
      %mul3A_87 = arith.constant 16 : i32
      %mul3A_88 = arith.muli %add3A_86, %mul3A_87 : i32
      %swap3A_89 = arith.index_cast %mul3A_88 : i32 to index
      %swap3A_90 = tpu.vector_load %arg6[%swap3A_89] {strides = array<i32>} : memref<16384xi32, #tpu.memory_space<vmem>>, vector<16xi32>,
      tpu.vector_store %arg6[%swap3A_89], %broadcast_in_dim3A_3 {strides = array<i32>} : memref<16384xi32, #tpu.memory_space<vmem>>, vector<16xi32>,
      %mul3A_91 = arith.constant 8 : i32
      %mul3A_92 = arith.muli %scan3A_74, %mul3A_91 : i32
      %add3A_93 = arith.constant 2 : i32
      %add3A_94 = arith.addi %mul3A_92, %add3A_93 : i32
      %mul3A_95 = arith.constant 16 : i32
      %mul3A_96 = arith.muli %add3A_94, %mul3A_95 : i32
      %swap3A_97 = arith.index_cast %mul3A_96 : i32 to index
      %swap3A_98 = tpu.vector_load %arg6[%swap3A_97] {strides = array<i32>} : memref<16384xi32, #tpu.memory_space<vmem>>, vector<16xi32>,
      tpu.vector_store %arg6[%swap3A_97], %broadcast_in_dim3A_3 {strides = array<i32>} : memref<16384xi32, #tpu.memory_space<vmem>>, vector<16xi32>,
      %mul3A_99 = arith.constant 8 : i32
      %mul3A_100 = arith.muli %scan3A_74, %mul3A_99 : i32
      %add3A_101 = arith.constant 3 : i32
      %add3A_102 = arith.addi %mul3A_100, %add3A_101 : i32
      %mul3A_103 = arith.constant 16 : i32
      %mul3A_104 = arith.muli %add3A_102, %mul3A_103 : i32
      %swap3A_105 = arith.index_cast %mul3A_104 : i32 to index
      %swap3A_106 = tpu.vector_load %arg6[%swap3A_105] {strides = array<i32>} : memref<16384xi32, #tpu.memory_space<vmem>>, vector<16xi32>,
      tpu.vector_store %arg6[%swap3A_105], %broadcast_in_dim3A_3 {strides = array<i32>} : memref<16384xi32, #tpu.memory_space<vmem>>, vector<16xi32>,
      %mul3A_107 = arith.constant 8 : i32
      %mul3A_108 = arith.muli %scan3A_74, %mul3A_107 : i32
      %add3A_109 = arith.constant 4 : i32
      %add3A_110 = arith.addi %mul3A_108, %add3A_109 : i32
      %mul3A_111 = arith.constant 16 : i32
      %mul3A_112 = arith.muli %add3A_110, %mul3A_111 : i32
      %swap3A_113 = arith.index_cast %mul3A_112 : i32 to index
      %swap3A_114 = tpu.vector_load %arg6[%swap3A_113] {strides = array<i32>} : memref<16384xi32, #tpu.memory_space<vmem>>, vector<16xi32>,
      tpu.vector_store %arg6[%swap3A_113], %broadcast_in_dim3A_3 {strides = array<i32>} : memref<16384xi32, #tpu.memory_space<vmem>>, vector<16xi32>,
      %mul3A_115 = arith.constant 8 : i32
      %mul3A_116 = arith.muli %scan3A_74, %mul3A_115 : i32
      %add3A_117 = arith.constant 5 : i32
      %add3A_118 = arith.addi %mul3A_116, %add3A_117 : i32
      %mul3A_119 = arith.constant 16 : i32
      %mul3A_120 = arith.muli %add3A_118, %mul3A_119 : i32
      %swap3A_121 = arith.index_cast %mul3A_120 : i32 to index
      %swap3A_122 = tpu.vector_load %arg6[%swap3A_121] {strides = array<i32>} : memref<16384xi32, #tpu.memory_space<vmem>>, vector<16xi32>,
      tpu.vector_store %arg6[%swap3A_121], %broadcast_in_dim3A_3 {strides = array<i32>} : memref<16384xi32, #tpu.memory_space<vmem>>, vector<16xi32>,
      %mul3A_123 = arith.constant 8 : i32
      %mul3A_124 = arith.muli %scan3A_74, %mul3A_123 : i32
      %add3A_125 = arith.constant 6 : i32
      %add3A_126 = arith.addi %mul3A_124, %add3A_125 : i32
      %mul3A_127 = arith.constant 16 : i32
      %mul3A_128 = arith.muli %add3A_126, %mul3A_127 : i32
      %swap3A_129 = arith.index_cast %mul3A_128 : i32 to index
      %swap3A_130 = tpu.vector_load %arg6[%swap3A_129] {strides = array<i32>} : memref<16384xi32, #tpu.memory_space<vmem>>, vector<16xi32>,
      tpu.vector_store %arg6[%swap3A_129], %broadcast_in_dim3A_3 {strides = array<i32>} : memref<16384xi32, #tpu.memory_space<vmem>>, vector<16xi32>,
      %mul3A_131 = arith.constant 8 : i32
      %mul3A_132 = arith.muli %scan3A_74, %mul3A_131 : i32
      %add3A_133 = arith.constant 7 : i32
      %add3A_134 = arith.addi %mul3A_132, %add3A_133 : i32
      %mul3A_135 = arith.constant 16 : i32
      %mul3A_136 = arith.muli %add3A_134, %mul3A_135 : i32
      %swap3A_137 = arith.index_cast %mul3A_136 : i32 to index
      %swap3A_138 = tpu.vector_load %arg6[%swap3A_137] {strides = array<i32>} : memref<16384xi32, #tpu.memory_space<vmem>>, vector<16xi32>,
      tpu.vector_store %arg6[%swap3A_137], %broadcast_in_dim3A_3 {strides = array<i32>} : memref<16384xi32, #tpu.memory_space<vmem>>, vector<16xi32>,
      %scan3A_139 = arith.constant 0 : i32
      scf.yield %scan3A_139 : i32
    }
    %scan3A_9 = arith.constant 128 : i32
    %dma_start3A = arith.constant 0 : i32
    %dma_start3A_10 = tpu.memref_slice %arg2[%dma_start3A] : memref<102400xi32, #tpu.memory_space<hbm>> -> memref<2048xi32, #tpu.memory_space<hbm>>
    %dma_start3A_11 = arith.constant 0 : i32
    %dma_start3A_12 = tpu.memref_slice %arg2[%dma_start3A_11] : memref<102400xi32, #tpu.memory_space<hbm>> -> memref<2048xi32, #tpu.memory_space<hbm>>
    tpu.enqueue_dma source(%dma_start3A_12 : memref<2048xi32, #tpu.memory_space<hbm>>) target(%arg7 : memref<2048xi32, #tpu.memory_space<vmem>>) target_semaphore(%arg14 : memref<!tpu.dma_semaphore, #tpu.memory_space<semaphore_mem>>)
    %dma_start3A_13 = arith.constant 2048 : i32
    %dma_start3A_14 = tpu.memref_slice %arg2[%dma_start3A_13] : memref<102400xi32, #tpu.memory_space<hbm>> -> memref<2048xi32, #tpu.memory_space<hbm>>
    %dma_start3A_15 = arith.constant 2048 : i32
    %dma_start3A_16 = tpu.memref_slice %arg2[%dma_start3A_15] : memref<102400xi32, #tpu.memory_space<hbm>> -> memref<2048xi32, #tpu.memory_space<hbm>>
    tpu.enqueue_dma source(%dma_start3A_16 : memref<2048xi32, #tpu.memory_space<hbm>>) target(%arg8 : memref<2048xi32, #tpu.memory_space<vmem>>) target_semaphore(%arg15 : memref<!tpu.dma_semaphore, #tpu.memory_space<semaphore_mem>>)
    %scan3A_17 = arith.constant 0 : i32
    %scan3A_18 = arith.constant 0 : i32
    %scan3A_19 = arith.constant 25 : i32
    %scan3A_20 = arith.addi %scan3A_18, %scan3A_19 : i32
    %scan3A_21 = arith.constant 1 : i32
    %scan3A_22 = scf.for %scan3A_74 = %scan3A_18 to %scan3A_20 step %scan3A_21 iter_args(%scan3A_75 = %scan3A_17) -> (i32)  : i32 {
      %mul3A_76 = arith.constant 2 : i32
      %mul3A_77 = arith.muli %scan3A_74, %mul3A_76 : i32
      %dma_wait3A_78 = arith.constant 0 : i32
      %dma_wait3A_79 = tpu.memref_slice %arg2[%dma_wait3A_78] : memref<102400xi32, #tpu.memory_space<hbm>> -> memref<2048xi32, #tpu.memory_space<hbm>>
      %dma_wait3A_80 = arith.constant 0 : i32
      %dma_wait3A_81 = tpu.memref_slice %arg2[%dma_wait3A_80] : memref<102400xi32, #tpu.memory_space<hbm>> -> memref<2048xi32, #tpu.memory_space<hbm>>
      tpu.wait_dma2 semaphore(%arg14 : memref<!tpu.dma_semaphore, #tpu.memory_space<semaphore_mem>>) src(%dma_wait3A_81 : memref<2048xi32, #tpu.memory_space<hbm>>) dst(%arg7 : memref<2048xi32, #tpu.memory_space<vmem>>)
      %mul3A_82 = arith.constant 2048 : i32
      %mul3A_83 = arith.muli %mul3A_77, %mul3A_82 : i32
      %scan3A_84 = arith.constant 0 : i32
      %scan3A_85 = arith.constant 0 : i32
      %scan3A_86 = arith.constant 32 : i32
      %scan3A_87 = arith.addi %scan3A_85, %scan3A_86 : i32
      %scan3A_88 = arith.constant 1 : i32
      %scan3A_89 = scf.for %scan3A_118 = %scan3A_85 to %scan3A_87 step %scan3A_88 iter_args(%scan3A_119 = %scan3A_84) -> (i32)  : i32 {
        %mul3A_120 = arith.constant 4 : i32
        %mul3A_121 = arith.muli %scan3A_118, %mul3A_120 : i32
        %add3A_122 = arith.constant 0 : i32
        %add3A_123 = arith.addi %mul3A_121, %add3A_122 : i32
        %mul3A_124 = arith.constant 16 : i32
        %mul3A_125 = arith.muli %add3A_123, %mul3A_124 : i32
        %get3A = arith.index_cast %mul3A_125 : i32 to index
        %get3A_126 = tpu.vector_load %arg7[%get3A] {strides = array<i32>} : memref<2048xi32, #tpu.memory_space<vmem>>, vector<16xi32>,
        %mul3A_127 = arith.constant 4 : i32
        %mul3A_128 = arith.muli %scan3A_118, %mul3A_127 : i32
        %add3A_129 = arith.constant 1 : i32
        %add3A_130 = arith.addi %mul3A_128, %add3A_129 : i32
        %mul3A_131 = arith.constant 16 : i32
        %mul3A_132 = arith.muli %add3A_130, %mul3A_131 : i32
        %get3A_133 = arith.index_cast %mul3A_132 : i32 to index
        %get3A_134 = tpu.vector_load %arg7[%get3A_133] {strides = array<i32>} : memref<2048xi32, #tpu.memory_space<vmem>>, vector<16xi32>,
        %mul3A_135 = arith.constant 4 : i32
        %mul3A_136 = arith.muli %scan3A_118, %mul3A_135 : i32
        %add3A_137 = arith.constant 2 : i32
        %add3A_138 = arith.addi %mul3A_136, %add3A_137 : i32
        %mul3A_139 = arith.constant 16 : i32
        %mul3A_140 = arith.muli %add3A_138, %mul3A_139 : i32
        %get3A_141 = arith.index_cast %mul3A_140 : i32 to index
        %get3A_142 = tpu.vector_load %arg7[%get3A_141] {strides = array<i32>} : memref<2048xi32, #tpu.memory_space<vmem>>, vector<16xi32>,
        %mul3A_143 = arith.constant 4 : i32
        %mul3A_144 = arith.muli %scan3A_118, %mul3A_143 : i32
        %add3A_145 = arith.constant 3 : i32
        %add3A_146 = arith.addi %mul3A_144, %add3A_145 : i32
        %mul3A_147 = arith.constant 16 : i32
        %mul3A_148 = arith.muli %add3A_146, %mul3A_147 : i32
        %get3A_149 = arith.index_cast %mul3A_148 : i32 to index
        %get3A_150 = tpu.vector_load %arg7[%get3A_149] {strides = array<i32>} : memref<2048xi32, #tpu.memory_space<vmem>>, vector<16xi32>,
        %sub3A = vector.broadcast %add3A : i32 to vector<16xi32>
        %sub3A_151 = arith.subi %get3A_126, %sub3A : vector<16xi32>
        %ge3A = arith.constant 0 : i32
        %ge3A_152 = vector.broadcast %ge3A : i32 to vector<16xi32>
        %ge3A_153 = arith.cmpi sge, %sub3A_151, %ge3A_152 : vector<16xi32>
        %lt3A_154 = arith.constant 16384 : i32
        %lt3A_155 = vector.broadcast %lt3A_154 : i32 to vector<16xi32>
        %lt3A_156 = arith.cmpi slt, %sub3A_151, %lt3A_155 : vector<16xi32>
        %and3A = arith.andi %ge3A_153, %lt3A_156 : vector<16xi1>
        %and3A_157 = arith.constant 16383 : i32
        %and3A_158 = vector.broadcast %and3A_157 : i32 to vector<16xi32>
        %and3A_159 = arith.andi %sub3A_151, %and3A_158 : vector<16xi32>
        %mul3A_160 = arith.constant 4 : i32
        %mul3A_161 = arith.muli %scan3A_118, %mul3A_160 : i32
        %add3A_162 = arith.constant 0 : i32
        %add3A_163 = arith.addi %mul3A_161, %add3A_162 : i32
        %mul3A_164 = arith.constant 16 : i32
        %mul3A_165 = arith.muli %add3A_163, %mul3A_164 : i32
        %add3A_166 = arith.addi %mul3A_83, %mul3A_165 : i32
        %add3A_167 = vector.broadcast %add3A_166 : i32 to vector<16xi32>
        %add3A_168 = arith.addi %iota3A, %add3A_167 : vector<16xi32>
        tpu.vector_store_idx %arg6[%and3A_159], %add3A_168 masked %and3A : memref<16384xi32, #tpu.memory_space<vmem>>[vector<16xi32>], vector<16xi32>, vector<16xi1>
        %sub3A_169 = vector.broadcast %add3A : i32 to vector<16xi32>
        %sub3A_170 = arith.subi %get3A_134, %sub3A_169 : vector<16xi32>
        %ge3A_171 = arith.constant 0 : i32
        %ge3A_172 = vector.broadcast %ge3A_171 : i32 to vector<16xi32>
        %ge3A_173 = arith.cmpi sge, %sub3A_170, %ge3A_172 : vector<16xi32>
        %lt3A_174 = arith.constant 16384 : i32
        %lt3A_175 = vector.broadcast %lt3A_174 : i32 to vector<16xi32>
        %lt3A_176 = arith.cmpi slt, %sub3A_170, %lt3A_175 : vector<16xi32>
        %and3A_177 = arith.andi %ge3A_173, %lt3A_176 : vector<16xi1>
        %and3A_178 = arith.constant 16383 : i32
        %and3A_179 = vector.broadcast %and3A_178 : i32 to vector<16xi32>
        %and3A_180 = arith.andi %sub3A_170, %and3A_179 : vector<16xi32>
        %mul3A_181 = arith.constant 4 : i32
        %mul3A_182 = arith.muli %scan3A_118, %mul3A_181 : i32
        %add3A_183 = arith.constant 1 : i32
        %add3A_184 = arith.addi %mul3A_182, %add3A_183 : i32
        %mul3A_185 = arith.constant 16 : i32
        %mul3A_186 = arith.muli %add3A_184, %mul3A_185 : i32
        %add3A_187 = arith.addi %mul3A_83, %mul3A_186 : i32
        %add3A_188 = vector.broadcast %add3A_187 : i32 to vector<16xi32>
        %add3A_189 = arith.addi %iota3A, %add3A_188 : vector<16xi32>
        tpu.vector_store_idx %arg6[%and3A_180], %add3A_189 masked %and3A_177 : memref<16384xi32, #tpu.memory_space<vmem>>[vector<16xi32>], vector<16xi32>, vector<16xi1>
        %sub3A_190 = vector.broadcast %add3A : i32 to vector<16xi32>
        %sub3A_191 = arith.subi %get3A_142, %sub3A_190 : vector<16xi32>
        %ge3A_192 = arith.constant 0 : i32
        %ge3A_193 = vector.broadcast %ge3A_192 : i32 to vector<16xi32>
        %ge3A_194 = arith.cmpi sge, %sub3A_191, %ge3A_193 : vector<16xi32>
        %lt3A_195 = arith.constant 16384 : i32
        %lt3A_196 = vector.broadcast %lt3A_195 : i32 to vector<16xi32>
        %lt3A_197 = arith.cmpi slt, %sub3A_191, %lt3A_196 : vector<16xi32>
        %and3A_198 = arith.andi %ge3A_194, %lt3A_197 : vector<16xi1>
        %and3A_199 = arith.constant 16383 : i32
        %and3A_200 = vector.broadcast %and3A_199 : i32 to vector<16xi32>
        %and3A_201 = arith.andi %sub3A_191, %and3A_200 : vector<16xi32>
        %mul3A_202 = arith.constant 4 : i32
        %mul3A_203 = arith.muli %scan3A_118, %mul3A_202 : i32
        %add3A_204 = arith.constant 2 : i32
        %add3A_205 = arith.addi %mul3A_203, %add3A_204 : i32
        %mul3A_206 = arith.constant 16 : i32
        %mul3A_207 = arith.muli %add3A_205, %mul3A_206 : i32
        %add3A_208 = arith.addi %mul3A_83, %mul3A_207 : i32
        %add3A_209 = vector.broadcast %add3A_208 : i32 to vector<16xi32>
        %add3A_210 = arith.addi %iota3A, %add3A_209 : vector<16xi32>
        tpu.vector_store_idx %arg6[%and3A_201], %add3A_210 masked %and3A_198 : memref<16384xi32, #tpu.memory_space<vmem>>[vector<16xi32>], vector<16xi32>, vector<16xi1>
        %sub3A_211 = vector.broadcast %add3A : i32 to vector<16xi32>
        %sub3A_212 = arith.subi %get3A_150, %sub3A_211 : vector<16xi32>
        %ge3A_213 = arith.constant 0 : i32
        %ge3A_214 = vector.broadcast %ge3A_213 : i32 to vector<16xi32>
        %ge3A_215 = arith.cmpi sge, %sub3A_212, %ge3A_214 : vector<16xi32>
        %lt3A_216 = arith.constant 16384 : i32
        %lt3A_217 = vector.broadcast %lt3A_216 : i32 to vector<16xi32>
        %lt3A_218 = arith.cmpi slt, %sub3A_212, %lt3A_217 : vector<16xi32>
        %and3A_219 = arith.andi %ge3A_215, %lt3A_218 : vector<16xi1>
        %and3A_220 = arith.constant 16383 : i32
        %and3A_221 = vector.broadcast %and3A_220 : i32 to vector<16xi32>
        %and3A_222 = arith.andi %sub3A_212, %and3A_221 : vector<16xi32>
        %mul3A_223 = arith.constant 4 : i32
        %mul3A_224 = arith.muli %scan3A_118, %mul3A_223 : i32
        %add3A_225 = arith.constant 3 : i32
        %add3A_226 = arith.addi %mul3A_224, %add3A_225 : i32
        %mul3A_227 = arith.constant 16 : i32
        %mul3A_228 = arith.muli %add3A_226, %mul3A_227 : i32
        %add3A_229 = arith.addi %mul3A_83, %mul3A_228 : i32
        %add3A_230 = vector.broadcast %add3A_229 : i32 to vector<16xi32>
        %add3A_231 = arith.addi %iota3A, %add3A_230 : vector<16xi32>
        tpu.vector_store_idx %arg6[%and3A_222], %add3A_231 masked %and3A_219 : memref<16384xi32, #tpu.memory_space<vmem>>[vector<16xi32>], vector<16xi32>, vector<16xi1>
        %scan3A_232 = arith.constant 0 : i32
        scf.yield %scan3A_232 : i32
      }
      %scan3A_90 = arith.constant 32 : i32
      %add3A_91 = arith.constant 2 : i32
      %add3A_92 = arith.addi %mul3A_77, %add3A_91 : i32
      %lt3A = arith.constant 50 : i32
      %lt3A_93 = arith.cmpi slt, %add3A_92, %lt3A : i32
      %convert_element_type3A = arith.extui %lt3A_93 : i1 to i32
      %cond3A = arith.constant 0 : i32
      %cond3A_94 = arith.cmpi ne, %convert_element_type3A, %cond3A : i32
      scf.if %cond3A_94 {
        %add3A_118 = arith.constant 2 : i32
        %add3A_119 = arith.addi %mul3A_77, %add3A_118 : i32
        %mul3A_120 = arith.constant 2048 : i32
        %mul3A_121 = arith.muli %add3A_119, %mul3A_120 : i32
        %dma_start3A_122 = tpu.memref_slice %arg2[%mul3A_121] : memref<102400xi32, #tpu.memory_space<hbm>> -> memref<2048xi32, #tpu.memory_space<hbm>>
        %dma_start3A_123 = tpu.memref_slice %arg2[%mul3A_121] : memref<102400xi32, #tpu.memory_space<hbm>> -> memref<2048xi32, #tpu.memory_space<hbm>>
        tpu.enqueue_dma source(%dma_start3A_123 : memref<2048xi32, #tpu.memory_space<hbm>>) target(%arg7 : memref<2048xi32, #tpu.memory_space<vmem>>) target_semaphore(%arg14 : memref<!tpu.dma_semaphore, #tpu.memory_space<semaphore_mem>>)
      } else {
      }
      %dma_wait3A_95 = arith.constant 0 : i32
      %dma_wait3A_96 = tpu.memref_slice %arg2[%dma_wait3A_95] : memref<102400xi32, #tpu.memory_space<hbm>> -> memref<2048xi32, #tpu.memory_space<hbm>>
      %dma_wait3A_97 = arith.constant 0 : i32
      %dma_wait3A_98 = tpu.memref_slice %arg2[%dma_wait3A_97] : memref<102400xi32, #tpu.memory_space<hbm>> -> memref<2048xi32, #tpu.memory_space<hbm>>
      tpu.wait_dma2 semaphore(%arg15 : memref<!tpu.dma_semaphore, #tpu.memory_space<semaphore_mem>>) src(%dma_wait3A_98 : memref<2048xi32, #tpu.memory_space<hbm>>) dst(%arg8 : memref<2048xi32, #tpu.memory_space<vmem>>)
      %add3A_99 = arith.constant 1 : i32
      %add3A_100 = arith.addi %mul3A_77, %add3A_99 : i32
      %mul3A_101 = arith.constant 2048 : i32
      %mul3A_102 = arith.muli %add3A_100, %mul3A_101 : i32
      %scan3A_103 = arith.constant 0 : i32
      %scan3A_104 = arith.constant 0 : i32
      %scan3A_105 = arith.constant 32 : i32
      %scan3A_106 = arith.addi %scan3A_104, %scan3A_105 : i32
      %scan3A_107 = arith.constant 1 : i32
      %scan3A_108 = scf.for %scan3A_118 = %scan3A_104 to %scan3A_106 step %scan3A_107 iter_args(%scan3A_119 = %scan3A_103) -> (i32)  : i32 {
        %mul3A_120 = arith.constant 4 : i32
        %mul3A_121 = arith.muli %scan3A_118, %mul3A_120 : i32
        %add3A_122 = arith.constant 0 : i32
        %add3A_123 = arith.addi %mul3A_121, %add3A_122 : i32
        %mul3A_124 = arith.constant 16 : i32
        %mul3A_125 = arith.muli %add3A_123, %mul3A_124 : i32
        %get3A = arith.index_cast %mul3A_125 : i32 to index
        %get3A_126 = tpu.vector_load %arg8[%get3A] {strides = array<i32>} : memref<2048xi32, #tpu.memory_space<vmem>>, vector<16xi32>,
        %mul3A_127 = arith.constant 4 : i32
        %mul3A_128 = arith.muli %scan3A_118, %mul3A_127 : i32
        %add3A_129 = arith.constant 1 : i32
        %add3A_130 = arith.addi %mul3A_128, %add3A_129 : i32
        %mul3A_131 = arith.constant 16 : i32
        %mul3A_132 = arith.muli %add3A_130, %mul3A_131 : i32
        %get3A_133 = arith.index_cast %mul3A_132 : i32 to index
        %get3A_134 = tpu.vector_load %arg8[%get3A_133] {strides = array<i32>} : memref<2048xi32, #tpu.memory_space<vmem>>, vector<16xi32>,
        %mul3A_135 = arith.constant 4 : i32
        %mul3A_136 = arith.muli %scan3A_118, %mul3A_135 : i32
        %add3A_137 = arith.constant 2 : i32
        %add3A_138 = arith.addi %mul3A_136, %add3A_137 : i32
        %mul3A_139 = arith.constant 16 : i32
        %mul3A_140 = arith.muli %add3A_138, %mul3A_139 : i32
        %get3A_141 = arith.index_cast %mul3A_140 : i32 to index
        %get3A_142 = tpu.vector_load %arg8[%get3A_141] {strides = array<i32>} : memref<2048xi32, #tpu.memory_space<vmem>>, vector<16xi32>,
        %mul3A_143 = arith.constant 4 : i32
        %mul3A_144 = arith.muli %scan3A_118, %mul3A_143 : i32
        %add3A_145 = arith.constant 3 : i32
        %add3A_146 = arith.addi %mul3A_144, %add3A_145 : i32
        %mul3A_147 = arith.constant 16 : i32
        %mul3A_148 = arith.muli %add3A_146, %mul3A_147 : i32
        %get3A_149 = arith.index_cast %mul3A_148 : i32 to index
        %get3A_150 = tpu.vector_load %arg8[%get3A_149] {strides = array<i32>} : memref<2048xi32, #tpu.memory_space<vmem>>, vector<16xi32>,
        %sub3A = vector.broadcast %add3A : i32 to vector<16xi32>
        %sub3A_151 = arith.subi %get3A_126, %sub3A : vector<16xi32>
        %ge3A = arith.constant 0 : i32
        %ge3A_152 = vector.broadcast %ge3A : i32 to vector<16xi32>
        %ge3A_153 = arith.cmpi sge, %sub3A_151, %ge3A_152 : vector<16xi32>
        %lt3A_154 = arith.constant 16384 : i32
        %lt3A_155 = vector.broadcast %lt3A_154 : i32 to vector<16xi32>
        %lt3A_156 = arith.cmpi slt, %sub3A_151, %lt3A_155 : vector<16xi32>
        %and3A = arith.andi %ge3A_153, %lt3A_156 : vector<16xi1>
        %and3A_157 = arith.constant 16383 : i32
        %and3A_158 = vector.broadcast %and3A_157 : i32 to vector<16xi32>
        %and3A_159 = arith.andi %sub3A_151, %and3A_158 : vector<16xi32>
        %mul3A_160 = arith.constant 4 : i32
        %mul3A_161 = arith.muli %scan3A_118, %mul3A_160 : i32
        %add3A_162 = arith.constant 0 : i32
        %add3A_163 = arith.addi %mul3A_161, %add3A_162 : i32
        %mul3A_164 = arith.constant 16 : i32
        %mul3A_165 = arith.muli %add3A_163, %mul3A_164 : i32
        %add3A_166 = arith.addi %mul3A_102, %mul3A_165 : i32
        %add3A_167 = vector.broadcast %add3A_166 : i32 to vector<16xi32>
        %add3A_168 = arith.addi %iota3A, %add3A_167 : vector<16xi32>
        tpu.vector_store_idx %arg6[%and3A_159], %add3A_168 masked %and3A : memref<16384xi32, #tpu.memory_space<vmem>>[vector<16xi32>], vector<16xi32>, vector<16xi1>
        %sub3A_169 = vector.broadcast %add3A : i32 to vector<16xi32>
        %sub3A_170 = arith.subi %get3A_134, %sub3A_169 : vector<16xi32>
        %ge3A_171 = arith.constant 0 : i32
        %ge3A_172 = vector.broadcast %ge3A_171 : i32 to vector<16xi32>
        %ge3A_173 = arith.cmpi sge, %sub3A_170, %ge3A_172 : vector<16xi32>
        %lt3A_174 = arith.constant 16384 : i32
        %lt3A_175 = vector.broadcast %lt3A_174 : i32 to vector<16xi32>
        %lt3A_176 = arith.cmpi slt, %sub3A_170, %lt3A_175 : vector<16xi32>
        %and3A_177 = arith.andi %ge3A_173, %lt3A_176 : vector<16xi1>
        %and3A_178 = arith.constant 16383 : i32
        %and3A_179 = vector.broadcast %and3A_178 : i32 to vector<16xi32>
        %and3A_180 = arith.andi %sub3A_170, %and3A_179 : vector<16xi32>
        %mul3A_181 = arith.constant 4 : i32
        %mul3A_182 = arith.muli %scan3A_118, %mul3A_181 : i32
        %add3A_183 = arith.constant 1 : i32
        %add3A_184 = arith.addi %mul3A_182, %add3A_183 : i32
        %mul3A_185 = arith.constant 16 : i32
        %mul3A_186 = arith.muli %add3A_184, %mul3A_185 : i32
        %add3A_187 = arith.addi %mul3A_102, %mul3A_186 : i32
        %add3A_188 = vector.broadcast %add3A_187 : i32 to vector<16xi32>
        %add3A_189 = arith.addi %iota3A, %add3A_188 : vector<16xi32>
        tpu.vector_store_idx %arg6[%and3A_180], %add3A_189 masked %and3A_177 : memref<16384xi32, #tpu.memory_space<vmem>>[vector<16xi32>], vector<16xi32>, vector<16xi1>
        %sub3A_190 = vector.broadcast %add3A : i32 to vector<16xi32>
        %sub3A_191 = arith.subi %get3A_142, %sub3A_190 : vector<16xi32>
        %ge3A_192 = arith.constant 0 : i32
        %ge3A_193 = vector.broadcast %ge3A_192 : i32 to vector<16xi32>
        %ge3A_194 = arith.cmpi sge, %sub3A_191, %ge3A_193 : vector<16xi32>
        %lt3A_195 = arith.constant 16384 : i32
        %lt3A_196 = vector.broadcast %lt3A_195 : i32 to vector<16xi32>
        %lt3A_197 = arith.cmpi slt, %sub3A_191, %lt3A_196 : vector<16xi32>
        %and3A_198 = arith.andi %ge3A_194, %lt3A_197 : vector<16xi1>
        %and3A_199 = arith.constant 16383 : i32
        %and3A_200 = vector.broadcast %and3A_199 : i32 to vector<16xi32>
        %and3A_201 = arith.andi %sub3A_191, %and3A_200 : vector<16xi32>
        %mul3A_202 = arith.constant 4 : i32
        %mul3A_203 = arith.muli %scan3A_118, %mul3A_202 : i32
        %add3A_204 = arith.constant 2 : i32
        %add3A_205 = arith.addi %mul3A_203, %add3A_204 : i32
        %mul3A_206 = arith.constant 16 : i32
        %mul3A_207 = arith.muli %add3A_205, %mul3A_206 : i32
        %add3A_208 = arith.addi %mul3A_102, %mul3A_207 : i32
        %add3A_209 = vector.broadcast %add3A_208 : i32 to vector<16xi32>
        %add3A_210 = arith.addi %iota3A, %add3A_209 : vector<16xi32>
        tpu.vector_store_idx %arg6[%and3A_201], %add3A_210 masked %and3A_198 : memref<16384xi32, #tpu.memory_space<vmem>>[vector<16xi32>], vector<16xi32>, vector<16xi1>
        %sub3A_211 = vector.broadcast %add3A : i32 to vector<16xi32>
        %sub3A_212 = arith.subi %get3A_150, %sub3A_211 : vector<16xi32>
        %ge3A_213 = arith.constant 0 : i32
        %ge3A_214 = vector.broadcast %ge3A_213 : i32 to vector<16xi32>
        %ge3A_215 = arith.cmpi sge, %sub3A_212, %ge3A_214 : vector<16xi32>
        %lt3A_216 = arith.constant 16384 : i32
        %lt3A_217 = vector.broadcast %lt3A_216 : i32 to vector<16xi32>
        %lt3A_218 = arith.cmpi slt, %sub3A_212, %lt3A_217 : vector<16xi32>
        %and3A_219 = arith.andi %ge3A_215, %lt3A_218 : vector<16xi1>
        %and3A_220 = arith.constant 16383 : i32
        %and3A_221 = vector.broadcast %and3A_220 : i32 to vector<16xi32>
        %and3A_222 = arith.andi %sub3A_212, %and3A_221 : vector<16xi32>
        %mul3A_223 = arith.constant 4 : i32
        %mul3A_224 = arith.muli %scan3A_118, %mul3A_223 : i32
        %add3A_225 = arith.constant 3 : i32
        %add3A_226 = arith.addi %mul3A_224, %add3A_225 : i32
        %mul3A_227 = arith.constant 16 : i32
        %mul3A_228 = arith.muli %add3A_226, %mul3A_227 : i32
        %add3A_229 = arith.addi %mul3A_102, %mul3A_228 : i32
        %add3A_230 = vector.broadcast %add3A_229 : i32 to vector<16xi32>
        %add3A_231 = arith.addi %iota3A, %add3A_230 : vector<16xi32>
        tpu.vector_store_idx %arg6[%and3A_222], %add3A_231 masked %and3A_219 : memref<16384xi32, #tpu.memory_space<vmem>>[vector<16xi32>], vector<16xi32>, vector<16xi1>
        %scan3A_232 = arith.constant 0 : i32
        scf.yield %scan3A_232 : i32
      }
      %scan3A_109 = arith.constant 32 : i32
      %add3A_110 = arith.constant 3 : i32
      %add3A_111 = arith.addi %mul3A_77, %add3A_110 : i32
      %lt3A_112 = arith.constant 50 : i32
      %lt3A_113 = arith.cmpi slt, %add3A_111, %lt3A_112 : i32
      %convert_element_type3A_114 = arith.extui %lt3A_113 : i1 to i32
      %cond3A_115 = arith.constant 0 : i32
      %cond3A_116 = arith.cmpi ne, %convert_element_type3A_114, %cond3A_115 : i32
      scf.if %cond3A_116 {
        %add3A_118 = arith.constant 3 : i32
        %add3A_119 = arith.addi %mul3A_77, %add3A_118 : i32
        %mul3A_120 = arith.constant 2048 : i32
        %mul3A_121 = arith.muli %add3A_119, %mul3A_120 : i32
        %dma_start3A_122 = tpu.memref_slice %arg2[%mul3A_121] : memref<102400xi32, #tpu.memory_space<hbm>> -> memref<2048xi32, #tpu.memory_space<hbm>>
        %dma_start3A_123 = tpu.memref_slice %arg2[%mul3A_121] : memref<102400xi32, #tpu.memory_space<hbm>> -> memref<2048xi32, #tpu.memory_space<hbm>>
        tpu.enqueue_dma source(%dma_start3A_123 : memref<2048xi32, #tpu.memory_space<hbm>>) target(%arg8 : memref<2048xi32, #tpu.memory_space<vmem>>) target_semaphore(%arg15 : memref<!tpu.dma_semaphore, #tpu.memory_space<semaphore_mem>>)
      } else {
      }
      %scan3A_117 = arith.constant 0 : i32
      scf.yield %scan3A_117 : i32
    }
    %scan3A_23 = arith.constant 25 : i32
    "tpu.region"() ({
      %run_scoped3A = tpu.sem_alloc : memref<!tpu.dma_semaphore, #tpu.memory_space<semaphore_mem>>
      %dma_start3A_74 = tpu.memref_slice %arg5[%add3A] : memref<524288xi32, #tpu.memory_space<hbm>> -> memref<16384xi32, #tpu.memory_space<hbm>>
      %dma_start3A_75 = tpu.memref_slice %arg5[%add3A] : memref<524288xi32, #tpu.memory_space<hbm>> -> memref<16384xi32, #tpu.memory_space<hbm>>
      tpu.enqueue_dma source(%arg6 : memref<16384xi32, #tpu.memory_space<vmem>>) target(%dma_start3A_75 : memref<16384xi32, #tpu.memory_space<hbm>>) target_semaphore(%run_scoped3A : memref<!tpu.dma_semaphore, #tpu.memory_space<semaphore_mem>>)
      %dma_wait3A_76 = tpu.memref_slice %arg5[%add3A] : memref<524288xi32, #tpu.memory_space<hbm>> -> memref<16384xi32, #tpu.memory_space<hbm>>
      %dma_wait3A_77 = tpu.memref_slice %arg5[%add3A] : memref<524288xi32, #tpu.memory_space<hbm>> -> memref<16384xi32, #tpu.memory_space<hbm>>
      tpu.wait_dma2 semaphore(%run_scoped3A : memref<!tpu.dma_semaphore, #tpu.memory_space<semaphore_mem>>) src(%arg6 : memref<16384xi32, #tpu.memory_space<vmem>>) dst(%dma_wait3A_77 : memref<16384xi32, #tpu.memory_space<hbm>>)
      tpu.yield
    }) : () -> ()
    %barrier3A = arith.constant 0 : index
    tpu.barrier barrier_id(%barrier3A)
    "tpu.trace_stop"() : () -> ()
    %mul3A_24 = arith.constant 262144 : i32
    %mul3A_25 = arith.muli %arg0, %mul3A_24 : i32
    %add3A_26 = arith.constant 0 : i32
    %add3A_27 = arith.addi %mul3A_25, %add3A_26 : i32
    %dma_start3A_28 = tpu.memref_slice %arg5[%add3A_27] : memref<524288xi32, #tpu.memory_space<hbm>> -> memref<2048xi32, #tpu.memory_space<hbm>>
    %dma_start3A_29 = tpu.memref_slice %arg5[%add3A_27] : memref<524288xi32, #tpu.memory_space<hbm>> -> memref<2048xi32, #tpu.memory_space<hbm>>
    tpu.enqueue_dma source(%dma_start3A_29 : memref<2048xi32, #tpu.memory_space<hbm>>) target(%arg7 : memref<2048xi32, #tpu.memory_space<vmem>>) target_semaphore(%arg14 : memref<!tpu.dma_semaphore, #tpu.memory_space<semaphore_mem>>)
    %mul3A_30 = arith.constant 262144 : i32
    %mul3A_31 = arith.muli %arg0, %mul3A_30 : i32
    %add3A_32 = arith.constant 2048 : i32
    %add3A_33 = arith.addi %mul3A_31, %add3A_32 : i32
    %dma_start3A_34 = tpu.memref_slice %arg5[%add3A_33] : memref<524288xi32, #tpu.memory_space<hbm>> -> memref<2048xi32, #tpu.memory_space<hbm>>
    %dma_start3A_35 = tpu.memref_slice %arg5[%add3A_33] : memref<524288xi32, #tpu.memory_space<hbm>> -> memref<2048xi32, #tpu.memory_space<hbm>>
    tpu.enqueue_dma source(%dma_start3A_35 : memref<2048xi32, #tpu.memory_space<hbm>>) target(%arg8 : memref<2048xi32, #tpu.memory_space<vmem>>) target_semaphore(%arg15 : memref<!tpu.dma_semaphore, #tpu.memory_space<semaphore_mem>>)
    %mul3A_36 = arith.constant 262144 : i32
    %mul3A_37 = arith.muli %arg0, %mul3A_36 : i32
    %add3A_38 = arith.constant 4096 : i32
    %add3A_39 = arith.addi %mul3A_37, %add3A_38 : i32
    %dma_start3A_40 = tpu.memref_slice %arg5[%add3A_39] : memref<524288xi32, #tpu.memory_space<hbm>> -> memref<2048xi32, #tpu.memory_space<hbm>>
    %dma_start3A_41 = tpu.memref_slice %arg5[%add3A_39] : memref<524288xi32, #tpu.memory_space<hbm>> -> memref<2048xi32, #tpu.memory_space<hbm>>
    tpu.enqueue_dma source(%dma_start3A_41 : memref<2048xi32, #tpu.memory_space<hbm>>) target(%arg9 : memref<2048xi32, #tpu.memory_space<vmem>>) target_semaphore(%arg16 : memref<!tpu.dma_semaphore, #tpu.memory_space<semaphore_mem>>)
    %mul3A_42 = arith.constant 262144 : i32
    %mul3A_43 = arith.muli %arg0, %mul3A_42 : i32
    %add3A_44 = arith.constant 6144 : i32
    %add3A_45 = arith.addi %mul3A_43, %add3A_44 : i32
    %dma_start3A_46 = tpu.memref_slice %arg5[%add3A_45] : memref<524288xi32, #tpu.memory_space<hbm>> -> memref<2048xi32, #tpu.memory_space<hbm>>
    %dma_start3A_47 = tpu.memref_slice %arg5[%add3A_45] : memref<524288xi32, #tpu.memory_space<hbm>> -> memref<2048xi32, #tpu.memory_space<hbm>>
    tpu.enqueue_dma source(%dma_start3A_47 : memref<2048xi32, #tpu.memory_space<hbm>>) target(%arg10 : memref<2048xi32, #tpu.memory_space<vmem>>) target_semaphore(%arg17 : memref<!tpu.dma_semaphore, #tpu.memory_space<semaphore_mem>>)
    %scan3A_48 = arith.constant 0 : i32
    %scan3A_49 = arith.constant 0 : i32
    %scan3A_50 = arith.constant 128 : i32
    %scan3A_51 = arith.addi %scan3A_49, %scan3A_50 : i32
    %scan3A_52 = arith.constant 1 : i32
    %scan3A_53 = scf.for %scan3A_74 = %scan3A_49 to %scan3A_51 step %scan3A_52 iter_args(%scan3A_75 = %scan3A_48) -> (i32)  : i32 {
      %mul3A_76 = arith.constant 4 : i32
      %mul3A_77 = arith.muli %scan3A_74, %mul3A_76 : i32
      %add3A_78 = arith.constant 0 : i32
      %add3A_79 = arith.addi %mul3A_77, %add3A_78 : i32
      "tpu.trace_start"() <{level = 10 : i32, message = "m_wait"}> : () -> ()
      %mul3A_80 = arith.constant 262144 : i32
      %mul3A_81 = arith.muli %arg0, %mul3A_80 : i32
      %add3A_82 = arith.constant 0 : i32
      %add3A_83 = arith.addi %mul3A_81, %add3A_82 : i32
      %dma_wait3A_84 = tpu.memref_slice %arg5[%add3A_83] : memref<524288xi32, #tpu.memory_space<hbm>> -> memref<2048xi32, #tpu.memory_space<hbm>>
      %dma_wait3A_85 = tpu.memref_slice %arg5[%add3A_83] : memref<524288xi32, #tpu.memory_space<hbm>> -> memref<2048xi32, #tpu.memory_space<hbm>>
      tpu.wait_dma2 semaphore(%arg14 : memref<!tpu.dma_semaphore, #tpu.memory_space<semaphore_mem>>) src(%dma_wait3A_85 : memref<2048xi32, #tpu.memory_space<hbm>>) dst(%arg7 : memref<2048xi32, #tpu.memory_space<vmem>>)
      %gt3A = arith.constant 0 : i32
      "tpu.trace_stop"() : () -> ()
      %gt3A_86 = arith.cmpi sgt, %scan3A_74, %gt3A : i32
      %convert_element_type3A = arith.extui %gt3A_86 : i1 to i32
      %cond3A = arith.constant 0 : i32
      %cond3A_87 = arith.cmpi ne, %convert_element_type3A, %cond3A : i32
      scf.if %cond3A_87 {
        %dma_wait3A_276 = arith.constant 0 : i32
        %dma_wait3A_277 = arith.constant 0 : i32
        "tpu.trace_start"() <{level = 10 : i32, message = "odrain"}> : () -> ()
        %dma_wait3A_278 = arith.constant 0 : i32
        %dma_wait3A_279 = arith.constant 0 : i32
        %dma_wait3A_280 = tpu.memref_slice %arg4[%arg0, %dma_wait3A_276, %dma_wait3A_277, %dma_wait3A_278, %dma_wait3A_279] : memref<2x64x64x64x64xf32, #tpu.memory_space<hbm>> -> memref<1x1x1x32x64xf32, #tpu.memory_space<hbm>>
        %dma_wait3A_281 = tpu.memref_squeeze %dma_wait3A_280 : memref<1x1x1x32x64xf32, #tpu.memory_space<hbm>> -> memref<32x64xf32, #tpu.memory_space<hbm>>
        %dma_wait3A_282 = arith.constant 0 : i32
        %dma_wait3A_283 = arith.constant 0 : i32
        %dma_wait3A_284 = tpu.memref_slice %arg4[%arg0, %dma_wait3A_276, %dma_wait3A_277, %dma_wait3A_282, %dma_wait3A_283] : memref<2x64x64x64x64xf32, #tpu.memory_space<hbm>> -> memref<1x1x1x32x64xf32, #tpu.memory_space<hbm>>
        %dma_wait3A_285 = tpu.memref_squeeze %dma_wait3A_284 : memref<1x1x1x32x64xf32, #tpu.memory_space<hbm>> -> memref<32x64xf32, #tpu.memory_space<hbm>>
        tpu.wait_dma2 semaphore(%arg18 : memref<!tpu.dma_semaphore, #tpu.memory_space<semaphore_mem>>) src(%arg11 : memref<32x64xf32, #tpu.memory_space<vmem>>) dst(%dma_wait3A_285 : memref<32x64xf32, #tpu.memory_space<hbm>>)
        "tpu.trace_stop"() : () -> ()
      } else {
      }
      %and3A = arith.constant 127 : i32
      %and3A_88 = arith.andi %add3A_79, %and3A : i32
      %eq3A = arith.constant 0 : i32
      %eq3A_89 = arith.cmpi eq, %and3A_88, %eq3A : i32
      %convert_element_type3A_90 = arith.extui %eq3A_89 : i1 to i32
      %cond3A_91 = arith.constant 0 : i32
      %cond3A_92 = arith.cmpi ne, %convert_element_type3A_90, %cond3A_91 : i32
      scf.if %cond3A_92 {
        "tpu.trace_start"() <{level = 10 : i32, message = "row"}> : () -> ()
        %mul3A_276 = arith.constant 4 : i32
        %mul3A_277 = arith.muli %arg1, %mul3A_276 : i32
        %div3A_278 = arith.constant 128 : i32
        %div3A_279 = arith.divsi %add3A_79, %div3A_278 : i32
        %add3A_280 = arith.addi %mul3A_277, %div3A_279 : i32
        %mul3A_281 = arith.constant 100352 : i32
        %mul3A_282 = arith.muli %add3A_280, %mul3A_281 : i32
        "tpu.region"() ({
          %run_scoped3A = tpu.sem_alloc : memref<!tpu.dma_semaphore, #tpu.memory_space<semaphore_mem>>
          %dma_start3A_283 = tpu.memref_slice %arg3[%mul3A_282] : memref<6422528xf32, #tpu.memory_space<hbm>> -> memref<100352xf32, #tpu.memory_space<hbm>>
          %dma_start3A_284 = tpu.memref_slice %arg3[%mul3A_282] : memref<6422528xf32, #tpu.memory_space<hbm>> -> memref<100352xf32, #tpu.memory_space<hbm>>
          tpu.enqueue_dma source(%dma_start3A_284 : memref<100352xf32, #tpu.memory_space<hbm>>) target(%arg13 : memref<100352xf32, #tpu.memory_space<vmem>>) target_semaphore(%run_scoped3A : memref<!tpu.dma_semaphore, #tpu.memory_space<semaphore_mem>>)
          %dma_wait3A_285 = tpu.memref_slice %arg3[%mul3A_282] : memref<6422528xf32, #tpu.memory_space<hbm>> -> memref<100352xf32, #tpu.memory_space<hbm>>
          %dma_wait3A_286 = tpu.memref_slice %arg3[%mul3A_282] : memref<6422528xf32, #tpu.memory_space<hbm>> -> memref<100352xf32, #tpu.memory_space<hbm>>
          tpu.wait_dma2 semaphore(%run_scoped3A : memref<!tpu.dma_semaphore, #tpu.memory_space<semaphore_mem>>) src(%dma_wait3A_286 : memref<100352xf32, #tpu.memory_space<hbm>>) dst(%arg13 : memref<100352xf32, #tpu.memory_space<vmem>>)
          tpu.yield
        }) : () -> ()
        "tpu.trace_stop"() : () -> ()
      } else {
      }
      %parallel_loop3A = arith.constant 0 : i32
      %parallel_loop3A_93 = arith.constant 32 : i32
      %parallel_loop3A_94 = arith.constant 1 : i32
      "tpu.trace_start"() <{level = 10 : i32, message = "gat"}> : () -> ()
      scf.for %parallel_loop3A_276 = %parallel_loop3A to %parallel_loop3A_93 step %parallel_loop3A_94  : i32 {
        %parallel_loop3A_277 = arith.constant 64 : i32
        %parallel_loop3A_278 = arith.muli %parallel_loop3A_276, %parallel_loop3A_277 : i32
        %parallel_loop3A_279 = arith.constant 0 : i32
        %parallel_loop3A_280 = arith.addi %parallel_loop3A_278, %parallel_loop3A_279 : i32
        %parallel_loop3A_281 = arith.index_cast %parallel_loop3A_280 : i32 to index
        %parallel_loop3A_282 = tpu.vector_load %arg7[%parallel_loop3A_281] {strides = array<i32>} : memref<2048xi32, #tpu.memory_space<vmem>>, vector<16xi32>,
        %parallel_loop3A_283 = tpu.vector_load_idx %arg13[%parallel_loop3A_282] : memref<100352xf32, #tpu.memory_space<vmem>>[vector<16xi32>], vector<16xf32>,
        %parallel_loop3A_284 = arith.index_cast %parallel_loop3A_276 : i32 to index
        %parallel_loop3A_285 = arith.constant 0 : index
        %parallel_loop3A_286 = tpu.vector_load %arg11[%parallel_loop3A_284, %parallel_loop3A_285] {strides = array<i32>} : memref<32x64xf32, #tpu.memory_space<vmem>>, vector<16xf32>,
        tpu.vector_store %arg11[%parallel_loop3A_284, %parallel_loop3A_285], %parallel_loop3A_283 {strides = array<i32>} : memref<32x64xf32, #tpu.memory_space<vmem>>, vector<16xf32>,
        %parallel_loop3A_287 = arith.constant 64 : i32
        %parallel_loop3A_288 = arith.muli %parallel_loop3A_276, %parallel_loop3A_287 : i32
        %parallel_loop3A_289 = arith.constant 16 : i32
        %parallel_loop3A_290 = arith.addi %parallel_loop3A_288, %parallel_loop3A_289 : i32
        %parallel_loop3A_291 = arith.index_cast %parallel_loop3A_290 : i32 to index
        %parallel_loop3A_292 = tpu.vector_load %arg7[%parallel_loop3A_291] {strides = array<i32>} : memref<2048xi32, #tpu.memory_space<vmem>>, vector<16xi32>,
        %parallel_loop3A_293 = tpu.vector_load_idx %arg13[%parallel_loop3A_292] : memref<100352xf32, #tpu.memory_space<vmem>>[vector<16xi32>], vector<16xf32>,
        %parallel_loop3A_294 = arith.index_cast %parallel_loop3A_276 : i32 to index
        %parallel_loop3A_295 = arith.constant 16 : index
        %parallel_loop3A_296 = tpu.vector_load %arg11[%parallel_loop3A_294, %parallel_loop3A_295] {strides = array<i32>} : memref<32x64xf32, #tpu.memory_space<vmem>>, vector<16xf32>,
        tpu.vector_store %arg11[%parallel_loop3A_294, %parallel_loop3A_295], %parallel_loop3A_293 {strides = array<i32>} : memref<32x64xf32, #tpu.memory_space<vmem>>, vector<16xf32>,
        %parallel_loop3A_297 = arith.constant 64 : i32
        %parallel_loop3A_298 = arith.muli %parallel_loop3A_276, %parallel_loop3A_297 : i32
        %parallel_loop3A_299 = arith.constant 32 : i32
        %parallel_loop3A_300 = arith.addi %parallel_loop3A_298, %parallel_loop3A_299 : i32
        %parallel_loop3A_301 = arith.index_cast %parallel_loop3A_300 : i32 to index
        %parallel_loop3A_302 = tpu.vector_load %arg7[%parallel_loop3A_301] {strides = array<i32>} : memref<2048xi32, #tpu.memory_space<vmem>>, vector<16xi32>,
        %parallel_loop3A_303 = tpu.vector_load_idx %arg13[%parallel_loop3A_302] : memref<100352xf32, #tpu.memory_space<vmem>>[vector<16xi32>], vector<16xf32>,
        %parallel_loop3A_304 = arith.index_cast %parallel_loop3A_276 : i32 to index
        %parallel_loop3A_305 = arith.constant 32 : index
        %parallel_loop3A_306 = tpu.vector_load %arg11[%parallel_loop3A_304, %parallel_loop3A_305] {strides = array<i32>} : memref<32x64xf32, #tpu.memory_space<vmem>>, vector<16xf32>,
        tpu.vector_store %arg11[%parallel_loop3A_304, %parallel_loop3A_305], %parallel_loop3A_303 {strides = array<i32>} : memref<32x64xf32, #tpu.memory_space<vmem>>, vector<16xf32>,
        %parallel_loop3A_307 = arith.constant 64 : i32
        %parallel_loop3A_308 = arith.muli %parallel_loop3A_276, %parallel_loop3A_307 : i32
        %parallel_loop3A_309 = arith.constant 48 : i32
        %parallel_loop3A_310 = arith.addi %parallel_loop3A_308, %parallel_loop3A_309 : i32
        %parallel_loop3A_311 = arith.index_cast %parallel_loop3A_310 : i32 to index
        %parallel_loop3A_312 = tpu.vector_load %arg7[%parallel_loop3A_311] {strides = array<i32>} : memref<2048xi32, #tpu.memory_space<vmem>>, vector<16xi32>,
        %parallel_loop3A_313 = tpu.vector_load_idx %arg13[%parallel_loop3A_312] : memref<100352xf32, #tpu.memory_space<vmem>>[vector<16xi32>], vector<16xf32>,
        %parallel_loop3A_314 = arith.index_cast %parallel_loop3A_276 : i32 to index
        %parallel_loop3A_315 = arith.constant 48 : index
        %parallel_loop3A_316 = tpu.vector_load %arg11[%parallel_loop3A_314, %parallel_loop3A_315] {strides = array<i32>} : memref<32x64xf32, #tpu.memory_space<vmem>>, vector<16xf32>,
        tpu.vector_store %arg11[%parallel_loop3A_314, %parallel_loop3A_315], %parallel_loop3A_313 {strides = array<i32>} : memref<32x64xf32, #tpu.memory_space<vmem>>, vector<16xf32>,
      } {sc.loop_unroll_factor = 16 : i64, sc.parallel_access}
      "tpu.trace_stop"() : () -> ()
      %mul3A_95 = arith.constant 4 : i32
      %mul3A_96 = arith.muli %arg1, %mul3A_95 : i32
      %div3A = arith.constant 128 : i32
      %div3A_97 = arith.divsi %add3A_79, %div3A : i32
      %add3A_98 = arith.addi %mul3A_96, %div3A_97 : i32
      %and3A_99 = arith.constant 127 : i32
      %and3A_100 = arith.andi %add3A_79, %and3A_99 : i32
      %shift_right_arithmetic3A = arith.constant 1 : i32
      %shift_right_arithmetic3A_101 = arith.shrsi %and3A_100, %shift_right_arithmetic3A : i32
      %and3A_102 = arith.constant 1 : i32
      %and3A_103 = arith.andi %and3A_100, %and3A_102 : i32
      %mul3A_104 = arith.constant 32 : i32
      %mul3A_105 = arith.muli %and3A_103, %mul3A_104 : i32
      %dma_start3A_106 = arith.constant 0 : i32
      %dma_start3A_107 = tpu.memref_slice %arg4[%arg0, %add3A_98, %shift_right_arithmetic3A_101, %mul3A_105, %dma_start3A_106] : memref<2x64x64x64x64xf32, #tpu.memory_space<hbm>> -> memref<1x1x1x32x64xf32, #tpu.memory_space<hbm>>
      %dma_start3A_108 = tpu.memref_squeeze %dma_start3A_107 : memref<1x1x1x32x64xf32, #tpu.memory_space<hbm>> -> memref<32x64xf32, #tpu.memory_space<hbm>>
      %dma_start3A_109 = arith.constant 0 : i32
      %dma_start3A_110 = tpu.memref_slice %arg4[%arg0, %add3A_98, %shift_right_arithmetic3A_101, %mul3A_105, %dma_start3A_109] : memref<2x64x64x64x64xf32, #tpu.memory_space<hbm>> -> memref<1x1x1x32x64xf32, #tpu.memory_space<hbm>>
      %dma_start3A_111 = tpu.memref_squeeze %dma_start3A_110 : memref<1x1x1x32x64xf32, #tpu.memory_space<hbm>> -> memref<32x64xf32, #tpu.memory_space<hbm>>
      tpu.enqueue_dma source(%arg11 : memref<32x64xf32, #tpu.memory_space<vmem>>) target(%dma_start3A_111 : memref<32x64xf32, #tpu.memory_space<hbm>>) target_semaphore(%arg18 : memref<!tpu.dma_semaphore, #tpu.memory_space<semaphore_mem>>)
      %add3A_112 = arith.constant 4 : i32
      %add3A_113 = arith.addi %add3A_79, %add3A_112 : i32
      %lt3A = arith.constant 512 : i32
      %lt3A_114 = arith.cmpi slt, %add3A_113, %lt3A : i32
      %convert_element_type3A_115 = arith.extui %lt3A_114 : i1 to i32
      %cond3A_116 = arith.constant 0 : i32
      %cond3A_117 = arith.cmpi ne, %convert_element_type3A_115, %cond3A_116 : i32
      scf.if %cond3A_117 {
        %add3A_276 = arith.constant 4 : i32
        %add3A_277 = arith.addi %add3A_79, %add3A_276 : i32
        %and3A_278 = arith.constant 127 : i32
        %and3A_279 = arith.andi %add3A_277, %and3A_278 : i32
        %mul3A_280 = arith.constant 262144 : i32
        %mul3A_281 = arith.muli %arg0, %mul3A_280 : i32
        %mul3A_282 = arith.constant 2048 : i32
        %mul3A_283 = arith.muli %and3A_279, %mul3A_282 : i32
        %add3A_284 = arith.addi %mul3A_281, %mul3A_283 : i32
        %dma_start3A_285 = tpu.memref_slice %arg5[%add3A_284] : memref<524288xi32, #tpu.memory_space<hbm>> -> memref<2048xi32, #tpu.memory_space<hbm>>
        %dma_start3A_286 = tpu.memref_slice %arg5[%add3A_284] : memref<524288xi32, #tpu.memory_space<hbm>> -> memref<2048xi32, #tpu.memory_space<hbm>>
        tpu.enqueue_dma source(%dma_start3A_286 : memref<2048xi32, #tpu.memory_space<hbm>>) target(%arg7 : memref<2048xi32, #tpu.memory_space<vmem>>) target_semaphore(%arg14 : memref<!tpu.dma_semaphore, #tpu.memory_space<semaphore_mem>>)
      } else {
      }
      %add3A_118 = arith.constant 1 : i32
      %add3A_119 = arith.addi %mul3A_77, %add3A_118 : i32
      "tpu.trace_start"() <{level = 10 : i32, message = "m_wait"}> : () -> ()
      %mul3A_120 = arith.constant 262144 : i32
      %mul3A_121 = arith.muli %arg0, %mul3A_120 : i32
      %add3A_122 = arith.constant 0 : i32
      %add3A_123 = arith.addi %mul3A_121, %add3A_122 : i32
      %dma_wait3A_124 = tpu.memref_slice %arg5[%add3A_123] : memref<524288xi32, #tpu.memory_space<hbm>> -> memref<2048xi32, #tpu.memory_space<hbm>>
      %dma_wait3A_125 = tpu.memref_slice %arg5[%add3A_123] : memref<524288xi32, #tpu.memory_space<hbm>> -> memref<2048xi32, #tpu.memory_space<hbm>>
      tpu.wait_dma2 semaphore(%arg15 : memref<!tpu.dma_semaphore, #tpu.memory_space<semaphore_mem>>) src(%dma_wait3A_125 : memref<2048xi32, #tpu.memory_space<hbm>>) dst(%arg8 : memref<2048xi32, #tpu.memory_space<vmem>>)
      %gt3A_126 = arith.constant 0 : i32
      "tpu.trace_stop"() : () -> ()
      %gt3A_127 = arith.cmpi sgt, %scan3A_74, %gt3A_126 : i32
      %convert_element_type3A_128 = arith.extui %gt3A_127 : i1 to i32
      %cond3A_129 = arith.constant 0 : i32
      %cond3A_130 = arith.cmpi ne, %convert_element_type3A_128, %cond3A_129 : i32
      scf.if %cond3A_130 {
        %dma_wait3A_276 = arith.constant 0 : i32
        %dma_wait3A_277 = arith.constant 0 : i32
        "tpu.trace_start"() <{level = 10 : i32, message = "odrain"}> : () -> ()
        %dma_wait3A_278 = arith.constant 0 : i32
        %dma_wait3A_279 = arith.constant 0 : i32
        %dma_wait3A_280 = tpu.memref_slice %arg4[%arg0, %dma_wait3A_276, %dma_wait3A_277, %dma_wait3A_278, %dma_wait3A_279] : memref<2x64x64x64x64xf32, #tpu.memory_space<hbm>> -> memref<1x1x1x32x64xf32, #tpu.memory_space<hbm>>
        %dma_wait3A_281 = tpu.memref_squeeze %dma_wait3A_280 : memref<1x1x1x32x64xf32, #tpu.memory_space<hbm>> -> memref<32x64xf32, #tpu.memory_space<hbm>>
        %dma_wait3A_282 = arith.constant 0 : i32
        %dma_wait3A_283 = arith.constant 0 : i32
        %dma_wait3A_284 = tpu.memref_slice %arg4[%arg0, %dma_wait3A_276, %dma_wait3A_277, %dma_wait3A_282, %dma_wait3A_283] : memref<2x64x64x64x64xf32, #tpu.memory_space<hbm>> -> memref<1x1x1x32x64xf32, #tpu.memory_space<hbm>>
        %dma_wait3A_285 = tpu.memref_squeeze %dma_wait3A_284 : memref<1x1x1x32x64xf32, #tpu.memory_space<hbm>> -> memref<32x64xf32, #tpu.memory_space<hbm>>
        tpu.wait_dma2 semaphore(%arg19 : memref<!tpu.dma_semaphore, #tpu.memory_space<semaphore_mem>>) src(%arg12 : memref<32x64xf32, #tpu.memory_space<vmem>>) dst(%dma_wait3A_285 : memref<32x64xf32, #tpu.memory_space<hbm>>)
        "tpu.trace_stop"() : () -> ()
      } else {
      }
      %and3A_131 = arith.constant 127 : i32
      %and3A_132 = arith.andi %add3A_119, %and3A_131 : i32
      %eq3A_133 = arith.constant 0 : i32
      %eq3A_134 = arith.cmpi eq, %and3A_132, %eq3A_133 : i32
      %convert_element_type3A_135 = arith.extui %eq3A_134 : i1 to i32
      %cond3A_136 = arith.constant 0 : i32
      %cond3A_137 = arith.cmpi ne, %convert_element_type3A_135, %cond3A_136 : i32
      scf.if %cond3A_137 {
        "tpu.trace_start"() <{level = 10 : i32, message = "row"}> : () -> ()
        %mul3A_276 = arith.constant 4 : i32
        %mul3A_277 = arith.muli %arg1, %mul3A_276 : i32
        %div3A_278 = arith.constant 128 : i32
        %div3A_279 = arith.divsi %add3A_119, %div3A_278 : i32
        %add3A_280 = arith.addi %mul3A_277, %div3A_279 : i32
        %mul3A_281 = arith.constant 100352 : i32
        %mul3A_282 = arith.muli %add3A_280, %mul3A_281 : i32
        "tpu.region"() ({
          %run_scoped3A = tpu.sem_alloc : memref<!tpu.dma_semaphore, #tpu.memory_space<semaphore_mem>>
          %dma_start3A_283 = tpu.memref_slice %arg3[%mul3A_282] : memref<6422528xf32, #tpu.memory_space<hbm>> -> memref<100352xf32, #tpu.memory_space<hbm>>
          %dma_start3A_284 = tpu.memref_slice %arg3[%mul3A_282] : memref<6422528xf32, #tpu.memory_space<hbm>> -> memref<100352xf32, #tpu.memory_space<hbm>>
          tpu.enqueue_dma source(%dma_start3A_284 : memref<100352xf32, #tpu.memory_space<hbm>>) target(%arg13 : memref<100352xf32, #tpu.memory_space<vmem>>) target_semaphore(%run_scoped3A : memref<!tpu.dma_semaphore, #tpu.memory_space<semaphore_mem>>)
          %dma_wait3A_285 = tpu.memref_slice %arg3[%mul3A_282] : memref<6422528xf32, #tpu.memory_space<hbm>> -> memref<100352xf32, #tpu.memory_space<hbm>>
          %dma_wait3A_286 = tpu.memref_slice %arg3[%mul3A_282] : memref<6422528xf32, #tpu.memory_space<hbm>> -> memref<100352xf32, #tpu.memory_space<hbm>>
          tpu.wait_dma2 semaphore(%run_scoped3A : memref<!tpu.dma_semaphore, #tpu.memory_space<semaphore_mem>>) src(%dma_wait3A_286 : memref<100352xf32, #tpu.memory_space<hbm>>) dst(%arg13 : memref<100352xf32, #tpu.memory_space<vmem>>)
          tpu.yield
        }) : () -> ()
        "tpu.trace_stop"() : () -> ()
      } else {
      }
      %parallel_loop3A_138 = arith.constant 0 : i32
      %parallel_loop3A_139 = arith.constant 32 : i32
      %parallel_loop3A_140 = arith.constant 1 : i32
      "tpu.trace_start"() <{level = 10 : i32, message = "gat"}> : () -> ()
      scf.for %parallel_loop3A_276 = %parallel_loop3A_138 to %parallel_loop3A_139 step %parallel_loop3A_140  : i32 {
        %parallel_loop3A_277 = arith.constant 64 : i32
        %parallel_loop3A_278 = arith.muli %parallel_loop3A_276, %parallel_loop3A_277 : i32
        %parallel_loop3A_279 = arith.constant 0 : i32
        %parallel_loop3A_280 = arith.addi %parallel_loop3A_278, %parallel_loop3A_279 : i32
        %parallel_loop3A_281 = arith.index_cast %parallel_loop3A_280 : i32 to index
        %parallel_loop3A_282 = tpu.vector_load %arg8[%parallel_loop3A_281] {strides = array<i32>} : memref<2048xi32, #tpu.memory_space<vmem>>, vector<16xi32>,
        %parallel_loop3A_283 = tpu.vector_load_idx %arg13[%parallel_loop3A_282] : memref<100352xf32, #tpu.memory_space<vmem>>[vector<16xi32>], vector<16xf32>,
        %parallel_loop3A_284 = arith.index_cast %parallel_loop3A_276 : i32 to index
        %parallel_loop3A_285 = arith.constant 0 : index
        %parallel_loop3A_286 = tpu.vector_load %arg12[%parallel_loop3A_284, %parallel_loop3A_285] {strides = array<i32>} : memref<32x64xf32, #tpu.memory_space<vmem>>, vector<16xf32>,
        tpu.vector_store %arg12[%parallel_loop3A_284, %parallel_loop3A_285], %parallel_loop3A_283 {strides = array<i32>} : memref<32x64xf32, #tpu.memory_space<vmem>>, vector<16xf32>,
        %parallel_loop3A_287 = arith.constant 64 : i32
        %parallel_loop3A_288 = arith.muli %parallel_loop3A_276, %parallel_loop3A_287 : i32
        %parallel_loop3A_289 = arith.constant 16 : i32
        %parallel_loop3A_290 = arith.addi %parallel_loop3A_288, %parallel_loop3A_289 : i32
        %parallel_loop3A_291 = arith.index_cast %parallel_loop3A_290 : i32 to index
        %parallel_loop3A_292 = tpu.vector_load %arg8[%parallel_loop3A_291] {strides = array<i32>} : memref<2048xi32, #tpu.memory_space<vmem>>, vector<16xi32>,
        %parallel_loop3A_293 = tpu.vector_load_idx %arg13[%parallel_loop3A_292] : memref<100352xf32, #tpu.memory_space<vmem>>[vector<16xi32>], vector<16xf32>,
        %parallel_loop3A_294 = arith.index_cast %parallel_loop3A_276 : i32 to index
        %parallel_loop3A_295 = arith.constant 16 : index
        %parallel_loop3A_296 = tpu.vector_load %arg12[%parallel_loop3A_294, %parallel_loop3A_295] {strides = array<i32>} : memref<32x64xf32, #tpu.memory_space<vmem>>, vector<16xf32>,
        tpu.vector_store %arg12[%parallel_loop3A_294, %parallel_loop3A_295], %parallel_loop3A_293 {strides = array<i32>} : memref<32x64xf32, #tpu.memory_space<vmem>>, vector<16xf32>,
        %parallel_loop3A_297 = arith.constant 64 : i32
        %parallel_loop3A_298 = arith.muli %parallel_loop3A_276, %parallel_loop3A_297 : i32
        %parallel_loop3A_299 = arith.constant 32 : i32
        %parallel_loop3A_300 = arith.addi %parallel_loop3A_298, %parallel_loop3A_299 : i32
        %parallel_loop3A_301 = arith.index_cast %parallel_loop3A_300 : i32 to index
        %parallel_loop3A_302 = tpu.vector_load %arg8[%parallel_loop3A_301] {strides = array<i32>} : memref<2048xi32, #tpu.memory_space<vmem>>, vector<16xi32>,
        %parallel_loop3A_303 = tpu.vector_load_idx %arg13[%parallel_loop3A_302] : memref<100352xf32, #tpu.memory_space<vmem>>[vector<16xi32>], vector<16xf32>,
        %parallel_loop3A_304 = arith.index_cast %parallel_loop3A_276 : i32 to index
        %parallel_loop3A_305 = arith.constant 32 : index
        %parallel_loop3A_306 = tpu.vector_load %arg12[%parallel_loop3A_304, %parallel_loop3A_305] {strides = array<i32>} : memref<32x64xf32, #tpu.memory_space<vmem>>, vector<16xf32>,
        tpu.vector_store %arg12[%parallel_loop3A_304, %parallel_loop3A_305], %parallel_loop3A_303 {strides = array<i32>} : memref<32x64xf32, #tpu.memory_space<vmem>>, vector<16xf32>,
        %parallel_loop3A_307 = arith.constant 64 : i32
        %parallel_loop3A_308 = arith.muli %parallel_loop3A_276, %parallel_loop3A_307 : i32
        %parallel_loop3A_309 = arith.constant 48 : i32
        %parallel_loop3A_310 = arith.addi %parallel_loop3A_308, %parallel_loop3A_309 : i32
        %parallel_loop3A_311 = arith.index_cast %parallel_loop3A_310 : i32 to index
        %parallel_loop3A_312 = tpu.vector_load %arg8[%parallel_loop3A_311] {strides = array<i32>} : memref<2048xi32, #tpu.memory_space<vmem>>, vector<16xi32>,
        %parallel_loop3A_313 = tpu.vector_load_idx %arg13[%parallel_loop3A_312] : memref<100352xf32, #tpu.memory_space<vmem>>[vector<16xi32>], vector<16xf32>,
        %parallel_loop3A_314 = arith.index_cast %parallel_loop3A_276 : i32 to index
        %parallel_loop3A_315 = arith.constant 48 : index
        %parallel_loop3A_316 = tpu.vector_load %arg12[%parallel_loop3A_314, %parallel_loop3A_315] {strides = array<i32>} : memref<32x64xf32, #tpu.memory_space<vmem>>, vector<16xf32>,
        tpu.vector_store %arg12[%parallel_loop3A_314, %parallel_loop3A_315], %parallel_loop3A_313 {strides = array<i32>} : memref<32x64xf32, #tpu.memory_space<vmem>>, vector<16xf32>,
      } {sc.loop_unroll_factor = 16 : i64, sc.parallel_access}
      "tpu.trace_stop"() : () -> ()
      %mul3A_141 = arith.constant 4 : i32
      %mul3A_142 = arith.muli %arg1, %mul3A_141 : i32
      %div3A_143 = arith.constant 128 : i32
      %div3A_144 = arith.divsi %add3A_119, %div3A_143 : i32
      %add3A_145 = arith.addi %mul3A_142, %div3A_144 : i32
      %and3A_146 = arith.constant 127 : i32
      %and3A_147 = arith.andi %add3A_119, %and3A_146 : i32
      %shift_right_arithmetic3A_148 = arith.constant 1 : i32
      %shift_right_arithmetic3A_149 = arith.shrsi %and3A_147, %shift_right_arithmetic3A_148 : i32
      %and3A_150 = arith.constant 1 : i32
      %and3A_151 = arith.andi %and3A_147, %and3A_150 : i32
      %mul3A_152 = arith.constant 32 : i32
      %mul3A_153 = arith.muli %and3A_151, %mul3A_152 : i32
      %dma_start3A_154 = arith.constant 0 : i32
      %dma_start3A_155 = tpu.memref_slice %arg4[%arg0, %add3A_145, %shift_right_arithmetic3A_149, %mul3A_153, %dma_start3A_154] : memref<2x64x64x64x64xf32, #tpu.memory_space<hbm>> -> memref<1x1x1x32x64xf32, #tpu.memory_space<hbm>>
      %dma_start3A_156 = tpu.memref_squeeze %dma_start3A_155 : memref<1x1x1x32x64xf32, #tpu.memory_space<hbm>> -> memref<32x64xf32, #tpu.memory_space<hbm>>
      %dma_start3A_157 = arith.constant 0 : i32
      %dma_start3A_158 = tpu.memref_slice %arg4[%arg0, %add3A_145, %shift_right_arithmetic3A_149, %mul3A_153, %dma_start3A_157] : memref<2x64x64x64x64xf32, #tpu.memory_space<hbm>> -> memref<1x1x1x32x64xf32, #tpu.memory_space<hbm>>
      %dma_start3A_159 = tpu.memref_squeeze %dma_start3A_158 : memref<1x1x1x32x64xf32, #tpu.memory_space<hbm>> -> memref<32x64xf32, #tpu.memory_space<hbm>>
      tpu.enqueue_dma source(%arg12 : memref<32x64xf32, #tpu.memory_space<vmem>>) target(%dma_start3A_159 : memref<32x64xf32, #tpu.memory_space<hbm>>) target_semaphore(%arg19 : memref<!tpu.dma_semaphore, #tpu.memory_space<semaphore_mem>>)
      %add3A_160 = arith.constant 4 : i32
      %add3A_161 = arith.addi %add3A_119, %add3A_160 : i32
      %lt3A_162 = arith.constant 512 : i32
      %lt3A_163 = arith.cmpi slt, %add3A_161, %lt3A_162 : i32
      %convert_element_type3A_164 = arith.extui %lt3A_163 : i1 to i32
      %cond3A_165 = arith.constant 0 : i32
      %cond3A_166 = arith.cmpi ne, %convert_element_type3A_164, %cond3A_165 : i32
      scf.if %cond3A_166 {
        %add3A_276 = arith.constant 4 : i32
        %add3A_277 = arith.addi %add3A_119, %add3A_276 : i32
        %and3A_278 = arith.constant 127 : i32
        %and3A_279 = arith.andi %add3A_277, %and3A_278 : i32
        %mul3A_280 = arith.constant 262144 : i32
        %mul3A_281 = arith.muli %arg0, %mul3A_280 : i32
        %mul3A_282 = arith.constant 2048 : i32
        %mul3A_283 = arith.muli %and3A_279, %mul3A_282 : i32
        %add3A_284 = arith.addi %mul3A_281, %mul3A_283 : i32
        %dma_start3A_285 = tpu.memref_slice %arg5[%add3A_284] : memref<524288xi32, #tpu.memory_space<hbm>> -> memref<2048xi32, #tpu.memory_space<hbm>>
        %dma_start3A_286 = tpu.memref_slice %arg5[%add3A_284] : memref<524288xi32, #tpu.memory_space<hbm>> -> memref<2048xi32, #tpu.memory_space<hbm>>
        tpu.enqueue_dma source(%dma_start3A_286 : memref<2048xi32, #tpu.memory_space<hbm>>) target(%arg8 : memref<2048xi32, #tpu.memory_space<vmem>>) target_semaphore(%arg15 : memref<!tpu.dma_semaphore, #tpu.memory_space<semaphore_mem>>)
      } else {
      }
      %add3A_167 = arith.constant 2 : i32
      %add3A_168 = arith.addi %mul3A_77, %add3A_167 : i32
      "tpu.trace_start"() <{level = 10 : i32, message = "m_wait"}> : () -> ()
      %mul3A_169 = arith.constant 262144 : i32
      %mul3A_170 = arith.muli %arg0, %mul3A_169 : i32
      %add3A_171 = arith.constant 0 : i32
      %add3A_172 = arith.addi %mul3A_170, %add3A_171 : i32
      %dma_wait3A_173 = tpu.memref_slice %arg5[%add3A_172] : memref<524288xi32, #tpu.memory_space<hbm>> -> memref<2048xi32, #tpu.memory_space<hbm>>
      %dma_wait3A_174 = tpu.memref_slice %arg5[%add3A_172] : memref<524288xi32, #tpu.memory_space<hbm>> -> memref<2048xi32, #tpu.memory_space<hbm>>
      tpu.wait_dma2 semaphore(%arg16 : memref<!tpu.dma_semaphore, #tpu.memory_space<semaphore_mem>>) src(%dma_wait3A_174 : memref<2048xi32, #tpu.memory_space<hbm>>) dst(%arg9 : memref<2048xi32, #tpu.memory_space<vmem>>)
      %dma_wait3A_175 = arith.constant 0 : i32
      %dma_wait3A_176 = arith.constant 0 : i32
      "tpu.trace_stop"() : () -> ()
      "tpu.trace_start"() <{level = 10 : i32, message = "odrain"}> : () -> ()
      %dma_wait3A_177 = arith.constant 0 : i32
      %dma_wait3A_178 = arith.constant 0 : i32
      %dma_wait3A_179 = tpu.memref_slice %arg4[%arg0, %dma_wait3A_175, %dma_wait3A_176, %dma_wait3A_177, %dma_wait3A_178] : memref<2x64x64x64x64xf32, #tpu.memory_space<hbm>> -> memref<1x1x1x32x64xf32, #tpu.memory_space<hbm>>
      %dma_wait3A_180 = tpu.memref_squeeze %dma_wait3A_179 : memref<1x1x1x32x64xf32, #tpu.memory_space<hbm>> -> memref<32x64xf32, #tpu.memory_space<hbm>>
      %dma_wait3A_181 = arith.constant 0 : i32
      %dma_wait3A_182 = arith.constant 0 : i32
      %dma_wait3A_183 = tpu.memref_slice %arg4[%arg0, %dma_wait3A_175, %dma_wait3A_176, %dma_wait3A_181, %dma_wait3A_182] : memref<2x64x64x64x64xf32, #tpu.memory_space<hbm>> -> memref<1x1x1x32x64xf32, #tpu.memory_space<hbm>>
      %dma_wait3A_184 = tpu.memref_squeeze %dma_wait3A_183 : memref<1x1x1x32x64xf32, #tpu.memory_space<hbm>> -> memref<32x64xf32, #tpu.memory_space<hbm>>
      tpu.wait_dma2 semaphore(%arg18 : memref<!tpu.dma_semaphore, #tpu.memory_space<semaphore_mem>>) src(%arg11 : memref<32x64xf32, #tpu.memory_space<vmem>>) dst(%dma_wait3A_184 : memref<32x64xf32, #tpu.memory_space<hbm>>)
      "tpu.trace_stop"() : () -> ()
      %and3A_185 = arith.constant 127 : i32
      %and3A_186 = arith.andi %add3A_168, %and3A_185 : i32
      %eq3A_187 = arith.constant 0 : i32
      %eq3A_188 = arith.cmpi eq, %and3A_186, %eq3A_187 : i32
      %convert_element_type3A_189 = arith.extui %eq3A_188 : i1 to i32
      %cond3A_190 = arith.constant 0 : i32
      %cond3A_191 = arith.cmpi ne, %convert_element_type3A_189, %cond3A_190 : i32
      scf.if %cond3A_191 {
        "tpu.trace_start"() <{level = 10 : i32, message = "row"}> : () -> ()
        %mul3A_276 = arith.constant 4 : i32
        %mul3A_277 = arith.muli %arg1, %mul3A_276 : i32
        %div3A_278 = arith.constant 128 : i32
        %div3A_279 = arith.divsi %add3A_168, %div3A_278 : i32
        %add3A_280 = arith.addi %mul3A_277, %div3A_279 : i32
        %mul3A_281 = arith.constant 100352 : i32
        %mul3A_282 = arith.muli %add3A_280, %mul3A_281 : i32
        "tpu.region"() ({
          %run_scoped3A = tpu.sem_alloc : memref<!tpu.dma_semaphore, #tpu.memory_space<semaphore_mem>>
          %dma_start3A_283 = tpu.memref_slice %arg3[%mul3A_282] : memref<6422528xf32, #tpu.memory_space<hbm>> -> memref<100352xf32, #tpu.memory_space<hbm>>
          %dma_start3A_284 = tpu.memref_slice %arg3[%mul3A_282] : memref<6422528xf32, #tpu.memory_space<hbm>> -> memref<100352xf32, #tpu.memory_space<hbm>>
          tpu.enqueue_dma source(%dma_start3A_284 : memref<100352xf32, #tpu.memory_space<hbm>>) target(%arg13 : memref<100352xf32, #tpu.memory_space<vmem>>) target_semaphore(%run_scoped3A : memref<!tpu.dma_semaphore, #tpu.memory_space<semaphore_mem>>)
          %dma_wait3A_285 = tpu.memref_slice %arg3[%mul3A_282] : memref<6422528xf32, #tpu.memory_space<hbm>> -> memref<100352xf32, #tpu.memory_space<hbm>>
          %dma_wait3A_286 = tpu.memref_slice %arg3[%mul3A_282] : memref<6422528xf32, #tpu.memory_space<hbm>> -> memref<100352xf32, #tpu.memory_space<hbm>>
          tpu.wait_dma2 semaphore(%run_scoped3A : memref<!tpu.dma_semaphore, #tpu.memory_space<semaphore_mem>>) src(%dma_wait3A_286 : memref<100352xf32, #tpu.memory_space<hbm>>) dst(%arg13 : memref<100352xf32, #tpu.memory_space<vmem>>)
          tpu.yield
        }) : () -> ()
        "tpu.trace_stop"() : () -> ()
      } else {
      }
      %parallel_loop3A_192 = arith.constant 0 : i32
      %parallel_loop3A_193 = arith.constant 32 : i32
      %parallel_loop3A_194 = arith.constant 1 : i32
      "tpu.trace_start"() <{level = 10 : i32, message = "gat"}> : () -> ()
      scf.for %parallel_loop3A_276 = %parallel_loop3A_192 to %parallel_loop3A_193 step %parallel_loop3A_194  : i32 {
        %parallel_loop3A_277 = arith.constant 64 : i32
        %parallel_loop3A_278 = arith.muli %parallel_loop3A_276, %parallel_loop3A_277 : i32
        %parallel_loop3A_279 = arith.constant 0 : i32
        %parallel_loop3A_280 = arith.addi %parallel_loop3A_278, %parallel_loop3A_279 : i32
        %parallel_loop3A_281 = arith.index_cast %parallel_loop3A_280 : i32 to index
        %parallel_loop3A_282 = tpu.vector_load %arg9[%parallel_loop3A_281] {strides = array<i32>} : memref<2048xi32, #tpu.memory_space<vmem>>, vector<16xi32>,
        %parallel_loop3A_283 = tpu.vector_load_idx %arg13[%parallel_loop3A_282] : memref<100352xf32, #tpu.memory_space<vmem>>[vector<16xi32>], vector<16xf32>,
        %parallel_loop3A_284 = arith.index_cast %parallel_loop3A_276 : i32 to index
        %parallel_loop3A_285 = arith.constant 0 : index
        %parallel_loop3A_286 = tpu.vector_load %arg11[%parallel_loop3A_284, %parallel_loop3A_285] {strides = array<i32>} : memref<32x64xf32, #tpu.memory_space<vmem>>, vector<16xf32>,
        tpu.vector_store %arg11[%parallel_loop3A_284, %parallel_loop3A_285], %parallel_loop3A_283 {strides = array<i32>} : memref<32x64xf32, #tpu.memory_space<vmem>>, vector<16xf32>,
        %parallel_loop3A_287 = arith.constant 64 : i32
        %parallel_loop3A_288 = arith.muli %parallel_loop3A_276, %parallel_loop3A_287 : i32
        %parallel_loop3A_289 = arith.constant 16 : i32
        %parallel_loop3A_290 = arith.addi %parallel_loop3A_288, %parallel_loop3A_289 : i32
        %parallel_loop3A_291 = arith.index_cast %parallel_loop3A_290 : i32 to index
        %parallel_loop3A_292 = tpu.vector_load %arg9[%parallel_loop3A_291] {strides = array<i32>} : memref<2048xi32, #tpu.memory_space<vmem>>, vector<16xi32>,
        %parallel_loop3A_293 = tpu.vector_load_idx %arg13[%parallel_loop3A_292] : memref<100352xf32, #tpu.memory_space<vmem>>[vector<16xi32>], vector<16xf32>,
        %parallel_loop3A_294 = arith.index_cast %parallel_loop3A_276 : i32 to index
        %parallel_loop3A_295 = arith.constant 16 : index
        %parallel_loop3A_296 = tpu.vector_load %arg11[%parallel_loop3A_294, %parallel_loop3A_295] {strides = array<i32>} : memref<32x64xf32, #tpu.memory_space<vmem>>, vector<16xf32>,
        tpu.vector_store %arg11[%parallel_loop3A_294, %parallel_loop3A_295], %parallel_loop3A_293 {strides = array<i32>} : memref<32x64xf32, #tpu.memory_space<vmem>>, vector<16xf32>,
        %parallel_loop3A_297 = arith.constant 64 : i32
        %parallel_loop3A_298 = arith.muli %parallel_loop3A_276, %parallel_loop3A_297 : i32
        %parallel_loop3A_299 = arith.constant 32 : i32
        %parallel_loop3A_300 = arith.addi %parallel_loop3A_298, %parallel_loop3A_299 : i32
        %parallel_loop3A_301 = arith.index_cast %parallel_loop3A_300 : i32 to index
        %parallel_loop3A_302 = tpu.vector_load %arg9[%parallel_loop3A_301] {strides = array<i32>} : memref<2048xi32, #tpu.memory_space<vmem>>, vector<16xi32>,
        %parallel_loop3A_303 = tpu.vector_load_idx %arg13[%parallel_loop3A_302] : memref<100352xf32, #tpu.memory_space<vmem>>[vector<16xi32>], vector<16xf32>,
        %parallel_loop3A_304 = arith.index_cast %parallel_loop3A_276 : i32 to index
        %parallel_loop3A_305 = arith.constant 32 : index
        %parallel_loop3A_306 = tpu.vector_load %arg11[%parallel_loop3A_304, %parallel_loop3A_305] {strides = array<i32>} : memref<32x64xf32, #tpu.memory_space<vmem>>, vector<16xf32>,
        tpu.vector_store %arg11[%parallel_loop3A_304, %parallel_loop3A_305], %parallel_loop3A_303 {strides = array<i32>} : memref<32x64xf32, #tpu.memory_space<vmem>>, vector<16xf32>,
        %parallel_loop3A_307 = arith.constant 64 : i32
        %parallel_loop3A_308 = arith.muli %parallel_loop3A_276, %parallel_loop3A_307 : i32
        %parallel_loop3A_309 = arith.constant 48 : i32
        %parallel_loop3A_310 = arith.addi %parallel_loop3A_308, %parallel_loop3A_309 : i32
        %parallel_loop3A_311 = arith.index_cast %parallel_loop3A_310 : i32 to index
        %parallel_loop3A_312 = tpu.vector_load %arg9[%parallel_loop3A_311] {strides = array<i32>} : memref<2048xi32, #tpu.memory_space<vmem>>, vector<16xi32>,
        %parallel_loop3A_313 = tpu.vector_load_idx %arg13[%parallel_loop3A_312] : memref<100352xf32, #tpu.memory_space<vmem>>[vector<16xi32>], vector<16xf32>,
        %parallel_loop3A_314 = arith.index_cast %parallel_loop3A_276 : i32 to index
        %parallel_loop3A_315 = arith.constant 48 : index
        %parallel_loop3A_316 = tpu.vector_load %arg11[%parallel_loop3A_314, %parallel_loop3A_315] {strides = array<i32>} : memref<32x64xf32, #tpu.memory_space<vmem>>, vector<16xf32>,
        tpu.vector_store %arg11[%parallel_loop3A_314, %parallel_loop3A_315], %parallel_loop3A_313 {strides = array<i32>} : memref<32x64xf32, #tpu.memory_space<vmem>>, vector<16xf32>,
      } {sc.loop_unroll_factor = 16 : i64, sc.parallel_access}
      "tpu.trace_stop"() : () -> ()
      %mul3A_195 = arith.constant 4 : i32
      %mul3A_196 = arith.muli %arg1, %mul3A_195 : i32
      %div3A_197 = arith.constant 128 : i32
      %div3A_198 = arith.divsi %add3A_168, %div3A_197 : i32
      %add3A_199 = arith.addi %mul3A_196, %div3A_198 : i32
      %and3A_200 = arith.constant 127 : i32
      %and3A_201 = arith.andi %add3A_168, %and3A_200 : i32
      %shift_right_arithmetic3A_202 = arith.constant 1 : i32
      %shift_right_arithmetic3A_203 = arith.shrsi %and3A_201, %shift_right_arithmetic3A_202 : i32
      %and3A_204 = arith.constant 1 : i32
      %and3A_205 = arith.andi %and3A_201, %and3A_204 : i32
      %mul3A_206 = arith.constant 32 : i32
      %mul3A_207 = arith.muli %and3A_205, %mul3A_206 : i32
      %dma_start3A_208 = arith.constant 0 : i32
      %dma_start3A_209 = tpu.memref_slice %arg4[%arg0, %add3A_199, %shift_right_arithmetic3A_203, %mul3A_207, %dma_start3A_208] : memref<2x64x64x64x64xf32, #tpu.memory_space<hbm>> -> memref<1x1x1x32x64xf32, #tpu.memory_space<hbm>>
      %dma_start3A_210 = tpu.memref_squeeze %dma_start3A_209 : memref<1x1x1x32x64xf32, #tpu.memory_space<hbm>> -> memref<32x64xf32, #tpu.memory_space<hbm>>
      %dma_start3A_211 = arith.constant 0 : i32
      %dma_start3A_212 = tpu.memref_slice %arg4[%arg0, %add3A_199, %shift_right_arithmetic3A_203, %mul3A_207, %dma_start3A_211] : memref<2x64x64x64x64xf32, #tpu.memory_space<hbm>> -> memref<1x1x1x32x64xf32, #tpu.memory_space<hbm>>
      %dma_start3A_213 = tpu.memref_squeeze %dma_start3A_212 : memref<1x1x1x32x64xf32, #tpu.memory_space<hbm>> -> memref<32x64xf32, #tpu.memory_space<hbm>>
      tpu.enqueue_dma source(%arg11 : memref<32x64xf32, #tpu.memory_space<vmem>>) target(%dma_start3A_213 : memref<32x64xf32, #tpu.memory_space<hbm>>) target_semaphore(%arg18 : memref<!tpu.dma_semaphore, #tpu.memory_space<semaphore_mem>>)
      %add3A_214 = arith.constant 4 : i32
      %add3A_215 = arith.addi %add3A_168, %add3A_214 : i32
      %lt3A_216 = arith.constant 512 : i32
      %lt3A_217 = arith.cmpi slt, %add3A_215, %lt3A_216 : i32
      %convert_element_type3A_218 = arith.extui %lt3A_217 : i1 to i32
      %cond3A_219 = arith.constant 0 : i32
      %cond3A_220 = arith.cmpi ne, %convert_element_type3A_218, %cond3A_219 : i32
      scf.if %cond3A_220 {
        %add3A_276 = arith.constant 4 : i32
        %add3A_277 = arith.addi %add3A_168, %add3A_276 : i32
        %and3A_278 = arith.constant 127 : i32
        %and3A_279 = arith.andi %add3A_277, %and3A_278 : i32
        %mul3A_280 = arith.constant 262144 : i32
        %mul3A_281 = arith.muli %arg0, %mul3A_280 : i32
        %mul3A_282 = arith.constant 2048 : i32
        %mul3A_283 = arith.muli %and3A_279, %mul3A_282 : i32
        %add3A_284 = arith.addi %mul3A_281, %mul3A_283 : i32
        %dma_start3A_285 = tpu.memref_slice %arg5[%add3A_284] : memref<524288xi32, #tpu.memory_space<hbm>> -> memref<2048xi32, #tpu.memory_space<hbm>>
        %dma_start3A_286 = tpu.memref_slice %arg5[%add3A_284] : memref<524288xi32, #tpu.memory_space<hbm>> -> memref<2048xi32, #tpu.memory_space<hbm>>
        tpu.enqueue_dma source(%dma_start3A_286 : memref<2048xi32, #tpu.memory_space<hbm>>) target(%arg9 : memref<2048xi32, #tpu.memory_space<vmem>>) target_semaphore(%arg16 : memref<!tpu.dma_semaphore, #tpu.memory_space<semaphore_mem>>)
      } else {
      }
      %add3A_221 = arith.constant 3 : i32
      %add3A_222 = arith.addi %mul3A_77, %add3A_221 : i32
      "tpu.trace_start"() <{level = 10 : i32, message = "m_wait"}> : () -> ()
      %mul3A_223 = arith.constant 262144 : i32
      %mul3A_224 = arith.muli %arg0, %mul3A_223 : i32
      %add3A_225 = arith.constant 0 : i32
      %add3A_226 = arith.addi %mul3A_224, %add3A_225 : i32
      %dma_wait3A_227 = tpu.memref_slice %arg5[%add3A_226] : memref<524288xi32, #tpu.memory_space<hbm>> -> memref<2048xi32, #tpu.memory_space<hbm>>
      %dma_wait3A_228 = tpu.memref_slice %arg5[%add3A_226] : memref<524288xi32, #tpu.memory_space<hbm>> -> memref<2048xi32, #tpu.memory_space<hbm>>
      tpu.wait_dma2 semaphore(%arg17 : memref<!tpu.dma_semaphore, #tpu.memory_space<semaphore_mem>>) src(%dma_wait3A_228 : memref<2048xi32, #tpu.memory_space<hbm>>) dst(%arg10 : memref<2048xi32, #tpu.memory_space<vmem>>)
      %dma_wait3A_229 = arith.constant 0 : i32
      %dma_wait3A_230 = arith.constant 0 : i32
      "tpu.trace_stop"() : () -> ()
      "tpu.trace_start"() <{level = 10 : i32, message = "odrain"}> : () -> ()
      %dma_wait3A_231 = arith.constant 0 : i32
      %dma_wait3A_232 = arith.constant 0 : i32
      %dma_wait3A_233 = tpu.memref_slice %arg4[%arg0, %dma_wait3A_229, %dma_wait3A_230, %dma_wait3A_231, %dma_wait3A_232] : memref<2x64x64x64x64xf32, #tpu.memory_space<hbm>> -> memref<1x1x1x32x64xf32, #tpu.memory_space<hbm>>
      %dma_wait3A_234 = tpu.memref_squeeze %dma_wait3A_233 : memref<1x1x1x32x64xf32, #tpu.memory_space<hbm>> -> memref<32x64xf32, #tpu.memory_space<hbm>>
      %dma_wait3A_235 = arith.constant 0 : i32
      %dma_wait3A_236 = arith.constant 0 : i32
      %dma_wait3A_237 = tpu.memref_slice %arg4[%arg0, %dma_wait3A_229, %dma_wait3A_230, %dma_wait3A_235, %dma_wait3A_236] : memref<2x64x64x64x64xf32, #tpu.memory_space<hbm>> -> memref<1x1x1x32x64xf32, #tpu.memory_space<hbm>>
      %dma_wait3A_238 = tpu.memref_squeeze %dma_wait3A_237 : memref<1x1x1x32x64xf32, #tpu.memory_space<hbm>> -> memref<32x64xf32, #tpu.memory_space<hbm>>
      tpu.wait_dma2 semaphore(%arg19 : memref<!tpu.dma_semaphore, #tpu.memory_space<semaphore_mem>>) src(%arg12 : memref<32x64xf32, #tpu.memory_space<vmem>>) dst(%dma_wait3A_238 : memref<32x64xf32, #tpu.memory_space<hbm>>)
      "tpu.trace_stop"() : () -> ()
      %and3A_239 = arith.constant 127 : i32
      %and3A_240 = arith.andi %add3A_222, %and3A_239 : i32
      %eq3A_241 = arith.constant 0 : i32
      %eq3A_242 = arith.cmpi eq, %and3A_240, %eq3A_241 : i32
      %convert_element_type3A_243 = arith.extui %eq3A_242 : i1 to i32
      %cond3A_244 = arith.constant 0 : i32
      %cond3A_245 = arith.cmpi ne, %convert_element_type3A_243, %cond3A_244 : i32
      scf.if %cond3A_245 {
        "tpu.trace_start"() <{level = 10 : i32, message = "row"}> : () -> ()
        %mul3A_276 = arith.constant 4 : i32
        %mul3A_277 = arith.muli %arg1, %mul3A_276 : i32
        %div3A_278 = arith.constant 128 : i32
        %div3A_279 = arith.divsi %add3A_222, %div3A_278 : i32
        %add3A_280 = arith.addi %mul3A_277, %div3A_279 : i32
        %mul3A_281 = arith.constant 100352 : i32
        %mul3A_282 = arith.muli %add3A_280, %mul3A_281 : i32
        "tpu.region"() ({
          %run_scoped3A = tpu.sem_alloc : memref<!tpu.dma_semaphore, #tpu.memory_space<semaphore_mem>>
          %dma_start3A_283 = tpu.memref_slice %arg3[%mul3A_282] : memref<6422528xf32, #tpu.memory_space<hbm>> -> memref<100352xf32, #tpu.memory_space<hbm>>
          %dma_start3A_284 = tpu.memref_slice %arg3[%mul3A_282] : memref<6422528xf32, #tpu.memory_space<hbm>> -> memref<100352xf32, #tpu.memory_space<hbm>>
          tpu.enqueue_dma source(%dma_start3A_284 : memref<100352xf32, #tpu.memory_space<hbm>>) target(%arg13 : memref<100352xf32, #tpu.memory_space<vmem>>) target_semaphore(%run_scoped3A : memref<!tpu.dma_semaphore, #tpu.memory_space<semaphore_mem>>)
          %dma_wait3A_285 = tpu.memref_slice %arg3[%mul3A_282] : memref<6422528xf32, #tpu.memory_space<hbm>> -> memref<100352xf32, #tpu.memory_space<hbm>>
          %dma_wait3A_286 = tpu.memref_slice %arg3[%mul3A_282] : memref<6422528xf32, #tpu.memory_space<hbm>> -> memref<100352xf32, #tpu.memory_space<hbm>>
          tpu.wait_dma2 semaphore(%run_scoped3A : memref<!tpu.dma_semaphore, #tpu.memory_space<semaphore_mem>>) src(%dma_wait3A_286 : memref<100352xf32, #tpu.memory_space<hbm>>) dst(%arg13 : memref<100352xf32, #tpu.memory_space<vmem>>)
          tpu.yield
        }) : () -> ()
        "tpu.trace_stop"() : () -> ()
      } else {
      }
      %parallel_loop3A_246 = arith.constant 0 : i32
      %parallel_loop3A_247 = arith.constant 32 : i32
      %parallel_loop3A_248 = arith.constant 1 : i32
      "tpu.trace_start"() <{level = 10 : i32, message = "gat"}> : () -> ()
      scf.for %parallel_loop3A_276 = %parallel_loop3A_246 to %parallel_loop3A_247 step %parallel_loop3A_248  : i32 {
        %parallel_loop3A_277 = arith.constant 64 : i32
        %parallel_loop3A_278 = arith.muli %parallel_loop3A_276, %parallel_loop3A_277 : i32
        %parallel_loop3A_279 = arith.constant 0 : i32
        %parallel_loop3A_280 = arith.addi %parallel_loop3A_278, %parallel_loop3A_279 : i32
        %parallel_loop3A_281 = arith.index_cast %parallel_loop3A_280 : i32 to index
        %parallel_loop3A_282 = tpu.vector_load %arg10[%parallel_loop3A_281] {strides = array<i32>} : memref<2048xi32, #tpu.memory_space<vmem>>, vector<16xi32>,
        %parallel_loop3A_283 = tpu.vector_load_idx %arg13[%parallel_loop3A_282] : memref<100352xf32, #tpu.memory_space<vmem>>[vector<16xi32>], vector<16xf32>,
        %parallel_loop3A_284 = arith.index_cast %parallel_loop3A_276 : i32 to index
        %parallel_loop3A_285 = arith.constant 0 : index
        %parallel_loop3A_286 = tpu.vector_load %arg12[%parallel_loop3A_284, %parallel_loop3A_285] {strides = array<i32>} : memref<32x64xf32, #tpu.memory_space<vmem>>, vector<16xf32>,
        tpu.vector_store %arg12[%parallel_loop3A_284, %parallel_loop3A_285], %parallel_loop3A_283 {strides = array<i32>} : memref<32x64xf32, #tpu.memory_space<vmem>>, vector<16xf32>,
        %parallel_loop3A_287 = arith.constant 64 : i32
        %parallel_loop3A_288 = arith.muli %parallel_loop3A_276, %parallel_loop3A_287 : i32
        %parallel_loop3A_289 = arith.constant 16 : i32
        %parallel_loop3A_290 = arith.addi %parallel_loop3A_288, %parallel_loop3A_289 : i32
        %parallel_loop3A_291 = arith.index_cast %parallel_loop3A_290 : i32 to index
        %parallel_loop3A_292 = tpu.vector_load %arg10[%parallel_loop3A_291] {strides = array<i32>} : memref<2048xi32, #tpu.memory_space<vmem>>, vector<16xi32>,
        %parallel_loop3A_293 = tpu.vector_load_idx %arg13[%parallel_loop3A_292] : memref<100352xf32, #tpu.memory_space<vmem>>[vector<16xi32>], vector<16xf32>,
        %parallel_loop3A_294 = arith.index_cast %parallel_loop3A_276 : i32 to index
        %parallel_loop3A_295 = arith.constant 16 : index
        %parallel_loop3A_296 = tpu.vector_load %arg12[%parallel_loop3A_294, %parallel_loop3A_295] {strides = array<i32>} : memref<32x64xf32, #tpu.memory_space<vmem>>, vector<16xf32>,
        tpu.vector_store %arg12[%parallel_loop3A_294, %parallel_loop3A_295], %parallel_loop3A_293 {strides = array<i32>} : memref<32x64xf32, #tpu.memory_space<vmem>>, vector<16xf32>,
        %parallel_loop3A_297 = arith.constant 64 : i32
        %parallel_loop3A_298 = arith.muli %parallel_loop3A_276, %parallel_loop3A_297 : i32
        %parallel_loop3A_299 = arith.constant 32 : i32
        %parallel_loop3A_300 = arith.addi %parallel_loop3A_298, %parallel_loop3A_299 : i32
        %parallel_loop3A_301 = arith.index_cast %parallel_loop3A_300 : i32 to index
        %parallel_loop3A_302 = tpu.vector_load %arg10[%parallel_loop3A_301] {strides = array<i32>} : memref<2048xi32, #tpu.memory_space<vmem>>, vector<16xi32>,
        %parallel_loop3A_303 = tpu.vector_load_idx %arg13[%parallel_loop3A_302] : memref<100352xf32, #tpu.memory_space<vmem>>[vector<16xi32>], vector<16xf32>,
        %parallel_loop3A_304 = arith.index_cast %parallel_loop3A_276 : i32 to index
        %parallel_loop3A_305 = arith.constant 32 : index
        %parallel_loop3A_306 = tpu.vector_load %arg12[%parallel_loop3A_304, %parallel_loop3A_305] {strides = array<i32>} : memref<32x64xf32, #tpu.memory_space<vmem>>, vector<16xf32>,
        tpu.vector_store %arg12[%parallel_loop3A_304, %parallel_loop3A_305], %parallel_loop3A_303 {strides = array<i32>} : memref<32x64xf32, #tpu.memory_space<vmem>>, vector<16xf32>,
        %parallel_loop3A_307 = arith.constant 64 : i32
        %parallel_loop3A_308 = arith.muli %parallel_loop3A_276, %parallel_loop3A_307 : i32
        %parallel_loop3A_309 = arith.constant 48 : i32
        %parallel_loop3A_310 = arith.addi %parallel_loop3A_308, %parallel_loop3A_309 : i32
        %parallel_loop3A_311 = arith.index_cast %parallel_loop3A_310 : i32 to index
        %parallel_loop3A_312 = tpu.vector_load %arg10[%parallel_loop3A_311] {strides = array<i32>} : memref<2048xi32, #tpu.memory_space<vmem>>, vector<16xi32>,
        %parallel_loop3A_313 = tpu.vector_load_idx %arg13[%parallel_loop3A_312] : memref<100352xf32, #tpu.memory_space<vmem>>[vector<16xi32>], vector<16xf32>,
        %parallel_loop3A_314 = arith.index_cast %parallel_loop3A_276 : i32 to index
        %parallel_loop3A_315 = arith.constant 48 : index
        %parallel_loop3A_316 = tpu.vector_load %arg12[%parallel_loop3A_314, %parallel_loop3A_315] {strides = array<i32>} : memref<32x64xf32, #tpu.memory_space<vmem>>, vector<16xf32>,
        tpu.vector_store %arg12[%parallel_loop3A_314, %parallel_loop3A_315], %parallel_loop3A_313 {strides = array<i32>} : memref<32x64xf32, #tpu.memory_space<vmem>>, vector<16xf32>,
      } {sc.loop_unroll_factor = 16 : i64, sc.parallel_access}
      "tpu.trace_stop"() : () -> ()
      %mul3A_249 = arith.constant 4 : i32
      %mul3A_250 = arith.muli %arg1, %mul3A_249 : i32
      %div3A_251 = arith.constant 128 : i32
      %div3A_252 = arith.divsi %add3A_222, %div3A_251 : i32
      %add3A_253 = arith.addi %mul3A_250, %div3A_252 : i32
      %and3A_254 = arith.constant 127 : i32
      %and3A_255 = arith.andi %add3A_222, %and3A_254 : i32
      %shift_right_arithmetic3A_256 = arith.constant 1 : i32
      %shift_right_arithmetic3A_257 = arith.shrsi %and3A_255, %shift_right_arithmetic3A_256 : i32
      %and3A_258 = arith.constant 1 : i32
      %and3A_259 = arith.andi %and3A_255, %and3A_258 : i32
      %mul3A_260 = arith.constant 32 : i32
      %mul3A_261 = arith.muli %and3A_259, %mul3A_260 : i32
      %dma_start3A_262 = arith.constant 0 : i32
      %dma_start3A_263 = tpu.memref_slice %arg4[%arg0, %add3A_253, %shift_right_arithmetic3A_257, %mul3A_261, %dma_start3A_262] : memref<2x64x64x64x64xf32, #tpu.memory_space<hbm>> -> memref<1x1x1x32x64xf32, #tpu.memory_space<hbm>>
      %dma_start3A_264 = tpu.memref_squeeze %dma_start3A_263 : memref<1x1x1x32x64xf32, #tpu.memory_space<hbm>> -> memref<32x64xf32, #tpu.memory_space<hbm>>
      %dma_start3A_265 = arith.constant 0 : i32
      %dma_start3A_266 = tpu.memref_slice %arg4[%arg0, %add3A_253, %shift_right_arithmetic3A_257, %mul3A_261, %dma_start3A_265] : memref<2x64x64x64x64xf32, #tpu.memory_space<hbm>> -> memref<1x1x1x32x64xf32, #tpu.memory_space<hbm>>
      %dma_start3A_267 = tpu.memref_squeeze %dma_start3A_266 : memref<1x1x1x32x64xf32, #tpu.memory_space<hbm>> -> memref<32x64xf32, #tpu.memory_space<hbm>>
      tpu.enqueue_dma source(%arg12 : memref<32x64xf32, #tpu.memory_space<vmem>>) target(%dma_start3A_267 : memref<32x64xf32, #tpu.memory_space<hbm>>) target_semaphore(%arg19 : memref<!tpu.dma_semaphore, #tpu.memory_space<semaphore_mem>>)
      %add3A_268 = arith.constant 4 : i32
      %add3A_269 = arith.addi %add3A_222, %add3A_268 : i32
      %lt3A_270 = arith.constant 512 : i32
      %lt3A_271 = arith.cmpi slt, %add3A_269, %lt3A_270 : i32
      %convert_element_type3A_272 = arith.extui %lt3A_271 : i1 to i32
      %cond3A_273 = arith.constant 0 : i32
      %cond3A_274 = arith.cmpi ne, %convert_element_type3A_272, %cond3A_273 : i32
      scf.if %cond3A_274 {
        %add3A_276 = arith.constant 4 : i32
        %add3A_277 = arith.addi %add3A_222, %add3A_276 : i32
        %and3A_278 = arith.constant 127 : i32
        %and3A_279 = arith.andi %add3A_277, %and3A_278 : i32
        %mul3A_280 = arith.constant 262144 : i32
        %mul3A_281 = arith.muli %arg0, %mul3A_280 : i32
        %mul3A_282 = arith.constant 2048 : i32
        %mul3A_283 = arith.muli %and3A_279, %mul3A_282 : i32
        %add3A_284 = arith.addi %mul3A_281, %mul3A_283 : i32
        %dma_start3A_285 = tpu.memref_slice %arg5[%add3A_284] : memref<524288xi32, #tpu.memory_space<hbm>> -> memref<2048xi32, #tpu.memory_space<hbm>>
        %dma_start3A_286 = tpu.memref_slice %arg5[%add3A_284] : memref<524288xi32, #tpu.memory_space<hbm>> -> memref<2048xi32, #tpu.memory_space<hbm>>
        tpu.enqueue_dma source(%dma_start3A_286 : memref<2048xi32, #tpu.memory_space<hbm>>) target(%arg10 : memref<2048xi32, #tpu.memory_space<vmem>>) target_semaphore(%arg17 : memref<!tpu.dma_semaphore, #tpu.memory_space<semaphore_mem>>)
      } else {
      }
      %scan3A_275 = arith.constant 0 : i32
      scf.yield %scan3A_275 : i32
    }
    %scan3A_54 = arith.constant 128 : i32
    %dma_wait3A = arith.constant 0 : i32
    %dma_wait3A_55 = arith.constant 0 : i32
    %dma_wait3A_56 = arith.constant 0 : i32
    %dma_wait3A_57 = arith.constant 0 : i32
    %dma_wait3A_58 = tpu.memref_slice %arg4[%arg0, %dma_wait3A, %dma_wait3A_55, %dma_wait3A_56, %dma_wait3A_57] : memref<2x64x64x64x64xf32, #tpu.memory_space<hbm>> -> memref<1x1x1x32x64xf32, #tpu.memory_space<hbm>>
    %dma_wait3A_59 = tpu.memref_squeeze %dma_wait3A_58 : memref<1x1x1x32x64xf32, #tpu.memory_space<hbm>> -> memref<32x64xf32, #tpu.memory_space<hbm>>
    %dma_wait3A_60 = arith.constant 0 : i32
    %dma_wait3A_61 = arith.constant 0 : i32
    %dma_wait3A_62 = tpu.memref_slice %arg4[%arg0, %dma_wait3A, %dma_wait3A_55, %dma_wait3A_60, %dma_wait3A_61] : memref<2x64x64x64x64xf32, #tpu.memory_space<hbm>> -> memref<1x1x1x32x64xf32, #tpu.memory_space<hbm>>
    %dma_wait3A_63 = tpu.memref_squeeze %dma_wait3A_62 : memref<1x1x1x32x64xf32, #tpu.memory_space<hbm>> -> memref<32x64xf32, #tpu.memory_space<hbm>>
    tpu.wait_dma2 semaphore(%arg18 : memref<!tpu.dma_semaphore, #tpu.memory_space<semaphore_mem>>) src(%arg11 : memref<32x64xf32, #tpu.memory_space<vmem>>) dst(%dma_wait3A_63 : memref<32x64xf32, #tpu.memory_space<hbm>>)
    %dma_wait3A_64 = arith.constant 0 : i32
    %dma_wait3A_65 = arith.constant 0 : i32
    %dma_wait3A_66 = arith.constant 0 : i32
    %dma_wait3A_67 = arith.constant 0 : i32
    %dma_wait3A_68 = tpu.memref_slice %arg4[%arg0, %dma_wait3A_64, %dma_wait3A_65, %dma_wait3A_66, %dma_wait3A_67] : memref<2x64x64x64x64xf32, #tpu.memory_space<hbm>> -> memref<1x1x1x32x64xf32, #tpu.memory_space<hbm>>
    %dma_wait3A_69 = tpu.memref_squeeze %dma_wait3A_68 : memref<1x1x1x32x64xf32, #tpu.memory_space<hbm>> -> memref<32x64xf32, #tpu.memory_space<hbm>>
    %dma_wait3A_70 = arith.constant 0 : i32
    %dma_wait3A_71 = arith.constant 0 : i32
    %dma_wait3A_72 = tpu.memref_slice %arg4[%arg0, %dma_wait3A_64, %dma_wait3A_65, %dma_wait3A_70, %dma_wait3A_71] : memref<2x64x64x64x64xf32, #tpu.memory_space<hbm>> -> memref<1x1x1x32x64xf32, #tpu.memory_space<hbm>>
    %dma_wait3A_73 = tpu.memref_squeeze %dma_wait3A_72 : memref<1x1x1x32x64xf32, #tpu.memory_space<hbm>> -> memref<32x64xf32, #tpu.memory_space<hbm>>
    tpu.wait_dma2 semaphore(%arg19 : memref<!tpu.dma_semaphore, #tpu.memory_space<semaphore_mem>>) src(%arg12 : memref<32x64xf32, #tpu.memory_space<vmem>>) dst(%dma_wait3A_73 : memref<32x64xf32, #tpu.memory_space<hbm>>)
    return
  }
}

module attributes {stable_mosaic.version = 14 : i64} {
  func.func @_tc_transpose_body(%arg0: i32, %arg1: memref<1024x64xf32, #tpu.memory_space<vmem>>, %arg2: memref<64x1024xf32, #tpu.memory_space<vmem>>) attributes {dimension_semantics = [#tpu.dimension_semantics<arbitrary>], iteration_bounds = array<i64: 98>, scalar_prefetch = 0 : i64, scratch_operands = 0 : i64, tpu.core_type = #tpu.core_type<tc>, window_params = [{transform_indices = @transform_0, window_bounds = array<i64: 1024, 64>}, {transform_indices = @transform_1, window_bounds = array<i64: 64, 1024>}]} {
    %iota3A = tpu.iota {dimensions = array<i32: 0>} : vector<1024x64xi32>
    %mul3A = arith.constant 1024 : i32
    %mul3A_0 = arith.muli %arg0, %mul3A : i32
    %add3A = vector.broadcast %mul3A_0 : i32 to vector<1024x64xi32>
    %add3A_1 = arith.addi %iota3A, %add3A : vector<1024x64xi32>
    %lt3A = arith.constant 100000 : i32
    %lt3A_2 = vector.broadcast %lt3A : i32 to vector<1024x64xi32>
    %lt3A_3 = arith.cmpi slt, %add3A_1, %lt3A_2 : vector<1024x64xi32>
    %get3A = arith.constant 0 : index
    %get3A_4 = arith.constant 0 : index
    %get3A_5 = vector.load %arg1[%get3A, %get3A_4] : memref<1024x64xf32, #tpu.memory_space<vmem>>, vector<1024x64xf32>
    %jit3A = arith.constant 0.000000e+00 : f32
    %broadcast_in_dim3A = vector.broadcast %jit3A : f32 to vector<1024x64xf32>
    %select_n3A = arith.select %lt3A_3, %get3A_5, %broadcast_in_dim3A : vector<1024x64xi1>, vector<1024x64xf32>
    %transpose3A = tpu.transpose %select_n3A, [1, 0] : vector<1024x64xf32> -> vector<64x1024xf32>
    %swap3A = arith.constant 0 : index
    %swap3A_6 = arith.constant 0 : index
    %swap3A_7 = vector.load %arg2[%swap3A, %swap3A_6] : memref<64x1024xf32, #tpu.memory_space<vmem>>, vector<64x1024xf32>
    tpu.vector_store %arg2[%swap3A, %swap3A_6], %transpose3A {strides = array<i32>} : memref<64x1024xf32, #tpu.memory_space<vmem>>, vector<64x1024xf32>,
    return
  }
  func.func @transform_0(%arg0: i32) -> (i32, i32) {
    %c0_i32 = arith.constant 0 : i32
    %c0_i32_0 = arith.constant 0 : i32
    return %arg0, %c0_i32 : i32, i32
  }
  func.func @transform_1(%arg0: i32) -> (i32, i32) {
    %c0_i32 = arith.constant 0 : i32
    %c0_i32_0 = arith.constant 0 : i32
    return %c0_i32, %arg0 : i32, i32
  }
}

</mosaic_0001>

<sc_bundles>
// kernel: kernel.4.cloned.1.call-start
scs
__scs_entry_jumppad:
0x0: {  	(pc) =	sbr.rel $0x88, $3  }
0x1: {  	(tag) =	ssettag $0x0;
	lr =	simm.s32 $0x1  }
0x2: {  	[smem:$0x3F9E] =	sst lr;
	_ =	strace $0xD0000000  }
0x3: {  	_ = 	snop  }
0x4: {  	_ = 	snop  }
0x5: {  	_ = 	snop  }
0x6: {  	_ = 	snop  }
0x7: {  	_ = 	snop  }
__scs_overlays_trampoline_lowered:
0x8: {  	[smem:$0x3FAD] =	sst s0  }
0x9: {  	[smem:$0x3FAE] =	sst s1  }
0xa: {  	[smem:$0x3FAF] =	sst s2  }
0xb: {  	[smem:$0x3FB0] =	sst s3  }
0xc: {  	[smem:$0x3FB1] =	sst s4  }
0xd: {  	[smem:$0x3FB2] =	sst s5  }
0xe: {  	[smem:$0x3FB3] =	sst s6  }
0xf: {  	[smem:$0x3FB4] =	sst s7  }
0x10: {  	[smem:$0x3FB5] =	sst s8  }
0x11: {  	[smem:$0x3FB6] =	sst s9;
	s0 =	simm.s32 @!p0 $0x0  }
0x12: {  	s1 =	sld [smem:$0x3F9C];
	s0 =	simm.s32 @p0 $0x1  }
0x13: {  	[smem:$0x3FB7] =	sst s0;
	s0 =	simm.s32 @!p1 $0x0  }
0x14: {  	s2 =	sld [smem:$0x3F9B];
	s0 =	simm.s32 @p1 $0x1  }
0x15: {  	[smem:$0x3FB8] =	sst s0;
	s0 =	simm.s32 @!p2 $0x0  }
0x16: {  	s3 =	sld [smem:$0x3FDB];
	s0 =	simm.s32 @p2 $0x1  }
0x17: {  	s4 =	simm.s32 $0x1BF5;
	[smem:$0x3FBA] =	sst s0  }
0x18: {  	s0 =	sld [smem:$0x3F9D];
	_ =	swait.ge [sflag:s4], $0x0  }
0x19: {  	s7 =	sld [smem:$0x3F9E]  }
0x1a: {  	s8 =	sadd.s32 $0xFFFFE003, lr  }
0x1b: {  	s9 =	sadd.s32 $0xFFFFFEF7, lr;
	s5 =	simm.s32 $0xFFFFFFFF;
	p2 =	slt.u32 s8, $0xFFFFF086  }
0x1c: {  	p1 =	slt.u32 s9, $0xF7A;
	s5 =	simm.s32 @!p2 $0x0  }
0x1d: {  	s5 =	simm.s32 @p1 $0x1;
	p0 =	seq.s32 s7, s2  }
0x1e: {  	s7 =	smul.u32 @!p0 $0xF7A, s2;
	p2 =	seq.s32 @!p0 s5, $0x0  }
0x1f: {  	s9 =	smul.u32 $0xF7A, s1;
	s8 =	simm.s32 @!p0 $0x1BF5;
	p2 =	por !p2, p0  }
0x20: {  	[sflag:s8] =	ssyncset.s32 @!p0 $0xFFFFF086;
	s6 =	sadd.s32 @!p0 s3, s7;
	s7 =	simm.s32 @!p0 $0x108  }
0x21: {  	s3 =	sadd.s32 s3, s9;
	s6 =	sadd.s32 @!p0 $0x88, s6;
	s7 =	simm.s32 @p2 $0x1082  }
0x22: {  	[simem:s7], [sflag:s8] =	dma.local @!p0 [hbm:s6], $0xF7A  }
0x23: {  	s9 =	sor.u32 $0xD0000000, s2;
	s6 =	simm.s32 $0x108;
	_ =	swait.ge @!p0 [sflag:s8], $0x0  }
0x24: {  	s3 =	sadd.s32 $0x88, s3;
	s6 =	simm.s32 @!p1 $0x1082;
	[sflag:s4] =	ssyncset.s32 $0xFFFFF086  }
0x25: {  	[simem:s6], [sflag:s4] =	dma.local [hbm:s3], $0xF7A  }
0x26: {  	[smem:$0x3F9E] =	sst s1;
	(tag) =	ssettag s2;
	_ =	strace s9  }
0x27: {  	s1 =	sld [smem:$0x3FAE]  }
0x28: {  	s2 =	sld [smem:$0x3FAF]  }
0x29: {  	s4 =	sld [smem:$0x3FB1]  }
0x2a: {  	p0 =	seq.s32 s5, $0x0;
	s5 =	sld [smem:$0x3FB2]  }
0x2b: {  	s6 =	sld [smem:$0x3FB3]  }
0x2c: {  	s7 =	sld [smem:$0x3FB4]  }
0x2d: {  	s3 =	simm.s32 $0x108;
	s8 =	sld [smem:$0x3FB5]  }
0x2e: {  	s3 =	simm.s32 @!p0 $0x1082;
	s9 =	sld [smem:$0x3FB6]  }
0x2f: {  	lr =	sadd.s32 s0, s3;
	s0 =	sld [smem:$0x3FAD]  }
0x30: {  	s3 =	sld [smem:$0x3FB0]  }
0x31: {  	[smem:$0x3FB9] =	sst s10  }
0x32: {  	s10 =	sld [smem:$0x3FB7];
	_ =	sdelay $0x3  }
0x33: {  	p0 =	seq.s32 s10, $0x1;
	s10 =	sld [smem:$0x3FB9];
	_ =	sdelay $0x3  }
0x34: {  	[smem:$0x3FB9] =	sst s10  }
0x35: {  	s10 =	sld [smem:$0x3FB8];
	_ =	sdelay $0x3  }
0x36: {  	p1 =	seq.s32 s10, $0x1;
	s10 =	sld [smem:$0x3FB9];
	_ =	sdelay $0x3  }
0x37: {  	[smem:$0x3FB9] =	sst s10  }
0x38: {  	s10 =	sld [smem:$0x3FBA]  }
0x39: {  	_ = 	snop;
	(pc) =	sbr.ind lr, $3  }
0x3a: {  	_ = 	snop  }
0x3b: {  	_ = 	snop  }
0x3c: {  	p2 =	seq.s32 s10, $0x1;
	s10 =	sld [smem:$0x3FB9]  }
0x3d: {  	_ =	shalt  }
0x3e: {  	_ =	shalt  }
0x3f: {  	_ =	shalt  }
0x40: {  	_ =	shalt  }
0x41: {  	_ =	shalt  }
0x42: {  	_ =	shalt  }
0x43: {  	_ =	shalt  }
0x44: {  	_ =	shalt  }
0x45: {  	_ =	shalt  }
0x46: {  	_ =	shalt  }
0x47: {  	_ =	shalt  }
0x48: {  	_ =	shalt  }
0x49: {  	_ =	shalt  }
0x4a: {  	_ =	shalt  }
0x4b: {  	_ =	shalt  }
0x4c: {  	_ =	shalt  }
0x4d: {  	_ =	shalt  }
0x4e: {  	_ =	shalt  }
0x4f: {  	_ =	shalt  }
0x50: {  	_ =	shalt  }
0x51: {  	_ =	shalt  }
0x52: {  	_ =	shalt  }
0x53: {  	_ =	shalt  }
0x54: {  	_ =	shalt  }
0x55: {  	_ =	shalt  }
0x56: {  	_ =	shalt  }
0x57: {  	_ =	shalt  }
0x58: {  	_ =	shalt  }
0x59: {  	_ =	shalt  }
0x5a: {  	_ =	shalt  }
0x5b: {  	_ =	shalt  }
0x5c: {  	_ =	shalt  }
0x5d: {  	_ =	shalt  }
0x5e: {  	_ =	shalt  }
0x5f: {  	_ =	shalt  }
0x60: {  	_ =	shalt  }
0x61: {  	_ =	shalt  }
0x62: {  	_ =	shalt  }
0x63: {  	_ =	shalt  }
0x64: {  	_ =	shalt  }
0x65: {  	_ =	shalt  }
0x66: {  	_ =	shalt  }
0x67: {  	_ =	shalt  }
0x68: {  	_ =	shalt  }
0x69: {  	_ =	shalt  }
0x6a: {  	_ =	shalt  }
0x6b: {  	_ =	shalt  }
0x6c: {  	_ =	shalt  }
0x6d: {  	_ =	shalt  }
0x6e: {  	_ =	shalt  }
0x6f: {  	_ =	shalt  }
0x70: {  	_ =	shalt  }
0x71: {  	_ =	shalt  }
0x72: {  	_ =	shalt  }
0x73: {  	_ =	shalt  }
0x74: {  	_ =	shalt  }
0x75: {  	_ =	shalt  }
0x76: {  	_ =	shalt  }
0x77: {  	_ =	shalt  }
0x78: {  	_ =	shalt  }
0x79: {  	_ =	shalt  }
0x7a: {  	_ =	shalt  }
0x7b: {  	_ =	shalt  }
0x7c: {  	_ =	shalt  }
0x7d: {  	_ =	shalt  }
0x7e: {  	_ =	shalt  }
0x7f: {  	_ =	shalt  }
0x80: {  	_ =	shalt  }
0x81: {  	_ =	shalt  }
0x82: {  	_ =	shalt  }
0x83: {  	_ =	shalt  }
0x84: {  	_ =	shalt  }
0x85: {  	_ =	shalt  }
0x86: {  	_ =	shalt  }
0x87: {  	_ =	shalt  }
.Lfunc_end0:
.L_simem_size_0:
called_computation_lowered:
.L_overlay_start_0:
0x88: {  	s2 =	sld [smem:$0x3FD9]  }
0x89: {  	s3 =	sld [smem:$0x3FFE];
	_ =	sdelay $0x1  }
0x8a: {  	s1 =	srdreg.scid  }
0x8b: {  	s0 =	sand.u32 $0x1, s1  }
0x8c: {  	s17 =	sshll.u32 s0, $0xA;
	s2 =	sadd.s32 s3, s2  }
0x8d: {  	s2 =	sadd.s32 s2, s17  }
0x8e: {  	[smem:$0x3FC5] =	sst s2  }
0x8f: {  	_ = 	snop  }
0x90: {  	s2 =	sld [smem:$0x3FD0];
	(tm) =	ssettm $0x1  }
0x91: {  	s18 =	sld [smem:$0x3FFB];
	_ =	sdelay $0x3  }
0x92: {  	_ =	strace s18  }
0x93: {  	s3 =	sld [smem:$0x3FFC];
	_ =	sdelay $0x3  }
0x94: {  	_ =	strace s3  }
0x95: {  	s3 =	sld [smem:$0x3FFD];
	_ =	sdelay $0x3  }
0x96: {  	_ =	strace s3  }
0x97: {  	_ =	strace $0x8FFFFFFF  }
0x98: {  	s19 =	sld [smem:$0x3FDB];
	_ =	sdelay $0x1  }
0x99: {  	s4 =	simm.s32 $_scs_section_size  }
0x9a: {  	s5 =	simm.s32 $_size__tile_overlayer_lowered;
	s6 =	simm.s32 $_tile_overlayer_lowered  }
0x9b: {  	s22 =	simm.s32 $0x1BFF;
	s21 =	sshll.u32 s6, $0x1;
	s3 =	sadd.s32 s4, s19  }
0x9c: {  	s7 =	simm.s32 $0x0;
	s20 =	sshll.u32 s5, $0x1;
	s5 =	sadd.s32 s21, s3  }
0x9d: {  	[timem:s7], [sflag:s22] =	dma.local [hbm:s5], s20  }
0x9e: {  	_ =	swait.ge [sflag:s22], s20  }
0x9f: {  	s4 =	ssub.s32 $0x0, s20;
	[sflag:s22] =	ssyncset.done $0x0  }
0xa0: {  	[sflag:s22] =	ssyncadd.s32 s4;
	_ =	sdelay $0x1  }
0xa1: {  	s23 =	simm.s32 $0x1B8B  }
0xa2: {  	_ =	swait.ge [sflag:s23], $0x1  }
0xa3: {  	[sflag:s23] =	ssyncset.done $0x0  }
0xa4: {  	s25 =	simm.s32 $0x1B8E;
	s24 =	sld [smem:$0x3FFE];
	[sflag:s23] =	ssyncadd.s32 $0xFFFFFFFF  }
0xa5: {  	s26 =	simm.s32 $execute0_lowered;
	[smem:$0x3FD2] =	sst s25  }
0xa6: {  	s5 =	sshll.u32 s26, $0x1;
	_ =	strace $0x80000046;
	[dreg:$0x1] =	wrdreg $0xFFFFFFFF  }
0xa7: {  	s28 =	simm.s32 $_size_execute0_lowered;
	s3 =	sadd.s32 s3, s5;
	[dreg:$0x0] =	wrdreg $0x0  }
0xa8: {  	s5 =	sshll.u32 s28, $0x1;
	[dreg:$0x2] =	wrdreg s3  }
0xa9: {  	[dreg:$0x3] =	wrdreg s5  }
0xaa: {  	[dreg:$0x4] =	wrdreg $0xC0  }
0xab: {  	_ =	task [dreg:s7], $0x5FFFF  }
0xac: {  	[dreg:$0x1] =	wrdreg $0xFFFFFFFF  }
0xad: {  	[dreg:$0x0] =	wrdreg $0x60  }
0xae: {  	[dreg:$0x2] =	wrdreg s24  }
0xaf: {  	[dreg:$0x3] =	wrdreg s2  }
0xb0: {  	[dreg:$0x4] =	wrdreg $0x9  }
0xb1: {  	_ =	task.clear_ibuf [dreg:s7], $0x5FFFF;
	_ =	strace $0x90000046  }
0xb2: {  	s29 =	simm.s32 $0x9;
	_ =	strace $0x80000059  }
0xb3: {  	_ =	swait.ge [sflag:s29], $0x1  }
0xb4: {  	[sflag:s29] =	ssyncadd.s32 $0xFFFFFFFF  }
0xb5: {  	_ =	strace $0x90000059  }
0xb6: {  	_ =	sfence  }
0xb7: {  	s30 =	sld [smem:$0x0];
	_ =	sdelay $0x2  }
0xb8: {  	s31 =	sshll.u32 s1, $0xD;
	s1 =	sshrl.u32 s1, $0x2  }
0xb9: {  	s3 =	sand.u32 $0x4000, s31;
	s1 =	sadd.s32 s1, s30  }
0xba: {  	s0 =	sor.u32 s3, s0;
	s1 =	sshll.u32 s1, $0x11  }
0xbb: {  	s0 =	sor.u32 s1, s0  }
0xbc: {  	s0 =	sadd.s32 $0x8F2B, s0  }
0xbd: {  	[sflag:s0] =	ssyncadd.remote.s32 $0x1  }
0xbe: {  	_ =	sfence.sel $0xFFFF  }
0xbf: {  	[dreg:$0x0] =	wrdreg $0xFFFFFFFF;
	(pc) =	sbr.abs _section_cstart, $3  }
0xc0: {  	[dreg:$0x1] =	wrdreg $0xFFFFFFFF  }
0xc1: {  	_ =	task.clear_ibuf [dreg:s7], $0x2FFFF;
	_ =	strace $0x9FFFFFFF  }
0xc2: {  	(tm) =	ssettm $0x7FFFFFFF  }
0xc3: {  	_ =	shalt  }
tec
execute0_lowered:
.L_overlay_start_1:
0x0: {  	(tag) =	ssettag $0x1  }
0x1: {  	s2 =	rddreg [dreg:$0x0]  }
0x2: {  	s3 =	simm.s32 $0x0;
	s0 =	srdreg.scid;
	s12 =	stileid.u32  }
0x3: {  	s20 =	simm.s32 $0x4000;
	s28 =	simm.s32 $0x5800;
	s29 =	simm.s32 $0x7000  }
0x4: {  	s30 =	simm.s32 $0x6000;
	s31 =	simm.s32 $0x6800;
	[smem:$0x7FF] =	sst s3  }
0x5: {  	s0 =	sand.u32 $0x1, s0;
	s5 =	sadd.s32 $0x13200, s2;
	s8 =	sshll.u32 s12, $0xE  }
0x6: {  	s7 =	sadd.s32 $0x3200, s2;
	s22 =	sadd.s32 $0x100, s2;
	s9 =	sadd.s32 $0x200, s2  }
0x7: {  	s10 =	sadd.s32 $0x300, s2;
	s16 =	sshll.u32 s12, $0x2;
	s18 =	sshll.u32 s12, $0x14  }
0x8: {  	s19 =	sadd.s32 $0x13300, s2;
	_ =	strace $0x80000047;
	s1 =	ssub.s32 $0x2, s0  }
0x9: {  	s6 =	sshll.u32 s0, $0x12;
	[dreg:$0x3] =	wrdreg s22;
	s23 =	sshll.u32 s0, $0xF  }
0xa: {  	s17 =	sshll.u32 s0, $0x18;
	s4 =	sshrl.u32 s1, $0x1;
	s8 =	sor.u32 s8, s6  }
0xb: {  	s1 =	ssub.s32 s1, s4;
	s11 =	sshrl.u32 s8, $0x3;
	s4 =	sadd.s32 s7, s23  }
0xc: {  	s22 =	simm.s32 $0x4800;
	s11 =	sadd.s32 s7, s11;
	[dreg:$0x4] =	wrdreg s4  }
0xd: {  	s0 =	simm.s32 $0x3;
	s24 =	sadd.s32 $0x100, s4;
	[dreg:$0x5] =	wrdreg s11  }
.Ltmp0:
0xe: {  	s25 =	sadd.s32 $0x200, s4;
	[dreg:$0x6] =	wrdreg s24;
	(pc) =	sbr.rel .LBB2_1-.Ltmp0, $4  }
0xf: {  	s23 =	simm.s32 $0x1;
	s4 =	sadd.s32 $0x300, s4;
	[dreg:$0x7] =	wrdreg s25  }
0x10: {  	v0 =	vmov s8;
	s8 =	simm.s32 $0x0;
	s26 =	smax.u32 s1, $0x1;
	[dreg:$0x8] =	wrdreg s4  }
0x11: {  	s1 =	simm.s32 $0x6;
	[dreg:$0x9] =	wrdreg s26;
	s24 =	simm.s32 $0x2  }
0x12: {  	v1 =	vimm.s32 $0x186A0;
	v2 =	vlaneseq.u32;
	s25 =	simm.s32 $0x7;
	s4 =	simm.s32 $0x5;
	s26 =	simm.s32 $0x4  }
.LBB2_21:
0x13: {  	_ =	swait.ge [sflag:s4], $0x800  }
0x14: {  	[sflag:s4] =	ssyncset.done $0x0  }
0x15: {  	[sflag:s4] =	ssyncadd.s32 $0xFFFFF800  }
0x16: {  	_ =	swait.ge [sflag:s1], $0x800  }
0x17: {  	s8 =	rddreg [dreg:$0xa]  }
0x18: {  	s2 =	rddreg [dreg:$0x9];
	s8 =	sadd.s32 $0x1, s8  }
0x19: {  	p0 =	sne.s32 s8, s2  }
.Ltmp1:
0x1a: {  	_ = 	snop;
	(pc) =	sbr.rel @!p0 .LBB2_22-.Ltmp1, $3  }
0x1b: {  	_ =	sdelay $0x1  }
0x1c: {  	[sflag:s1] =	ssyncset.done $0x0  }
0x1d: {  	[sflag:s1] =	ssyncadd.s32 $0xFFFFF800  }
.LBB2_1:
0x1e: {  	[dreg:$0xa] =	wrdreg s8  }
0x1f: {  	s8 =	simm.s32 $0x0;
	s12 =	simm.s32 $0x200;
	_ =	strace $0x80000048  }
.LBB2_2:
0x20: {  	p0 =	sne.s32 s12, $0xFE00;
	[tilespmem:s8+$0x70] =	vst v1  }
0x21: {  	[tilespmem:s8+$0x0] =	vst v1  }
0x22: {  	[tilespmem:s8+$0x10] =	vst v1  }
.Ltmp2:
0x23: {  	[tilespmem:s8+$0x20] =	vst v1;
	(pc) =	sbr.rel @p0 .LBB2_2-.Ltmp2, $4  }
0x24: {  	[tilespmem:s8+$0x30] =	vst v1  }
0x25: {  	[tilespmem:s8+$0x40] =	vst v1  }
0x26: {  	[tilespmem:s8+$0x50] =	vst v1  }
0x27: {  	[tilespmem:s8+$0x60] =	vst v1;
	s8 =	sshra.s32 s12, $0x2;
	s12 =	sadd.s32 $0x200, s12  }
0x28: {  	[tilespmem:s8+$0x70] =	vst v1  }
0x29: {  	[tilespmem:s8+$0x0] =	vst v1  }
0x2a: {  	[tilespmem:s8+$0x10] =	vst v1  }
0x2b: {  	[tilespmem:s8+$0x20] =	vst v1  }
0x2c: {  	[tilespmem:s8+$0x30] =	vst v1  }
0x2d: {  	[tilespmem:s8+$0x40] =	vst v1  }
0x2e: {  	[tilespmem:s8+$0x50] =	vst v1  }
0x2f: {  	[tilespmem:s8+$0x60] =	vst v1;
	s8 =	simm.s32 $0x0;
	s2 =	rddreg [dreg:$0x0]  }
0x30: {  	[tilespmem:s20], [sflag:$0x1] =	stream.linear.gather [hbm4b:s2+s8], $0x800, $0x200038;
	[tilespmem:$0x1F800] =	vst v63  }
0x31: {  	s21 =	rddreg [dreg:$0x3];
	s15 =	simm.s32 $0x830;
	s13 =	simm.s32 $0x0  }
0x32: {  	[tilespmem:s22], [sflag:$0x2] =	stream.linear.gather [hbm4b:s21+s8], $0x800, $0x200038;
	[tilespmem:$0x1F800] =	vst v63  }
.LBB2_4:
0x33: {  	_ =	swait.ge [sflag:s23], $0x800  }
0x34: {  	[sflag:s23] =	ssyncset.done $0x0  }
0x35: {  	s14 =	simm.s32 $0x4020;
	[sflag:s23] =	ssyncadd.s32 $0xFFFFF800  }
0x36: {  	v3 =	vld [tilespmem:s14+$0xFFFFFFE0];
	_ =	sdelay $0x1  }
0x37: {  	v4 =	vld [tilespmem:s14+$0xFFFFFFF0];
	_ =	sdelay $0x2  }
0x38: {  	v5 =	vld [tilespmem:s14+$0x0];
	v6 =	vsub.s32 v3, v0  }
0x39: {  	vm0 =	vlt.u32 v6, $0x4000  }
0x3a: {  	v7 =	vld [tilespmem:s14+$0x10];
	v3 =	vand.u32 $0x3FFF, v3;
	v6 =	vsub.s32 v4, v0  }
0x3b: {  	vm1 =	vlt.u32 v6, $0x4000  }
0x3c: {  	v4 =	vand.u32 $0x3FFF, v4  }
0x3d: {  	s11 =	sadd.s32 $0x0, s8;
	v6 =	vsub.s32 v5, v0  }
0x3e: {  	vm2 =	vlt.u32 v6, $0x4000;
	v6 =	vor.u32 s11, v2  }
0x3f: {  	s12 =	sadd.s32 $0x10, s11;
	v5 =	vand.u32 $0x3FFF, v5;
	[tilespmem:v3+s3+$0x0] =	vst.idx.msk vm0, v6;
	v6 =	vsub.s32 v7, v0  }
0x40: {  	v3 =	vor.u32 s12, v2;
	vm0 =	vlt.u32 v6, $0x4000  }
0x41: {  	[tilespmem:v4+s3+$0x0] =	vst.idx.msk vm1, v3;
	v3 =	vand.u32 $0x3FFF, v7  }
0x42: {  	s20 =	sadd.s32 $0x20, s11  }
0x43: {  	s11 =	sadd.s32 $0x30, s11;
	v4 =	vor.u32 s20, v2  }
0x44: {  	s12 =	simm.s32 $0x40;
	[tilespmem:v5+s3+$0x0] =	vst.idx.msk vm2, v4;
	v4 =	vor.u32 s11, v2  }
.LBB2_5:
0x45: {  	p0 =	sne.s32 s12, $0x7C0  }
0x46: {  	[tilespmem:v3+s3+$0x0] =	vst.idx.msk vm0, v4;
	s14 =	sadd.s32 $0x40, s14;
	s11 =	smov.u32 s12;
	s12 =	sadd.s32 $0x40, s12  }
0x47: {  	v3 =	vld [tilespmem:s14+$0xFFFFFFE0]  }
0x48: {  	v4 =	vld [tilespmem:s14+$0xFFFFFFF0]  }
0x49: {  	v5 =	vld [tilespmem:s14+$0x0]  }
0x4a: {  	v6 =	vld [tilespmem:s14+$0x10];
	_ =	sdelay $0x1  }
0x4b: {  	v7 =	vsub.s32 v3, v0  }
0x4c: {  	vm1 =	vlt.u32 v7, $0x4000;
	v7 =	vsub.s32 v4, v0  }
0x4d: {  	v8 =	vand.u32 $0x3FFF, v3;
	vm2 =	vlt.u32 v7, $0x4000;
	v3 =	vsub.s32 v5, v0  }
0x4e: {  	v4 =	vand.u32 $0x3FFF, v4;
	vm3 =	vlt.u32 v3, $0x4000;
	v3 =	vsub.s32 v6, v0  }
0x4f: {  	v5 =	vand.u32 $0x3FFF, v5;
	vm0 =	vlt.u32 v3, $0x4000  }
.Ltmp3:
0x50: {  	s11 =	sadd.s32 s11, s8;
	v3 =	vand.u32 $0x3FFF, v6;
	(pc) =	sbr.rel @p0 .LBB2_5-.Ltmp3, $4  }
0x51: {  	s20 =	sadd.s32 $0x10, s11;
	s2 =	sadd.s32 $0x20, s11;
	v6 =	vor.u32 s11, v2;
	s11 =	sadd.s32 $0x30, s11  }
0x52: {  	[tilespmem:v8+s3+$0x0] =	vst.idx.msk vm1, v6;
	v6 =	vor.u32 s20, v2  }
0x53: {  	[tilespmem:v4+s3+$0x0] =	vst.idx.msk vm2, v6;
	v4 =	vor.u32 s2, v2  }
0x54: {  	[tilespmem:v5+s3+$0x0] =	vst.idx.msk vm3, v4;
	v4 =	vor.u32 s11, v2  }
0x55: {  	_ =	sdelay $0x3  }
0x56: {  	s14 =	sshll.u32 s13, $0x9;
	p0 =	seq.s32 s13, $0x18  }
0x57: {  	[tilespmem:v3+s3+$0x0] =	vst.idx.msk vm0, v4;
	s2 =	sadd.s32 @!p0 s14, s9;
	s11 =	simm.s32 @!p0 $0x0;
	s12 =	simm.s32 @!p0 $0x4000  }
0x58: {  	[tilespmem:s12], [sflag:$0x1] =	stream.linear.gather @!p0 [hbm4b:s2+s11], $0x800, $0x200038;
	[tilespmem:$0x1F800] =	vst v63  }
0x59: {  	_ =	swait.ge [sflag:s24], $0x800  }
0x5a: {  	[sflag:s24] =	ssyncset.done $0x0  }
0x5b: {  	s11 =	simm.s32 $0x0;
	[sflag:s24] =	ssyncadd.s32 $0xFFFFF800  }
0x5c: {  	v3 =	vld [tilespmem:s11+$0x4800];
	_ =	sdelay $0x1  }
0x5d: {  	v4 =	vld [tilespmem:s11+$0x4810];
	_ =	sdelay $0x2  }
0x5e: {  	v5 =	vld [tilespmem:s11+$0x4820];
	v6 =	vsub.s32 v3, v0  }
0x5f: {  	vm0 =	vlt.u32 v6, $0x4000  }
0x60: {  	v7 =	vld [tilespmem:s11+$0x4830];
	v3 =	vand.u32 $0x3FFF, v3;
	v6 =	vsub.s32 v4, v0  }
0x61: {  	vm1 =	vlt.u32 v6, $0x4000  }
0x62: {  	v4 =	vand.u32 $0x3FFF, v4  }
0x63: {  	s12 =	sadd.s32 $0xFFFFFFD0, s15;
	v6 =	vsub.s32 v5, v0  }
0x64: {  	vm2 =	vlt.u32 v6, $0x4000;
	v6 =	vor.u32 s12, v2  }
0x65: {  	s20 =	sadd.s32 $0xFFFFFFE0, s15;
	v5 =	vand.u32 $0x3FFF, v5;
	[tilespmem:v3+s3+$0x0] =	vst.idx.msk vm0, v6;
	v6 =	vsub.s32 v7, v0  }
0x66: {  	v3 =	vor.u32 s20, v2;
	vm0 =	vlt.u32 v6, $0x4000  }
0x67: {  	[tilespmem:v4+s3+$0x0] =	vst.idx.msk vm1, v3;
	v3 =	vand.u32 $0x3FFF, v7  }
0x68: {  	s21 =	sadd.s32 $0xFFFFFFF0, s15  }
0x69: {  	v4 =	vor.u32 s21, v2  }
0x6a: {  	s11 =	simm.s32 $0x200;
	s12 =	smov.u32 s15;
	s20 =	simm.s32 $0x100;
	[tilespmem:v5+s3+$0x0] =	vst.idx.msk vm2, v4;
	v4 =	vor.u32 s15, v2  }
.LBB2_7:
0x6b: {  	s2 =	sshra.s32 s20, $0x2  }
0x6c: {  	[tilespmem:v3+s3+$0x0] =	vst.idx.msk vm0, v4;
	s12 =	sadd.s32 $0x40, s12;
	s20 =	smov.u32 s11;
	s21 =	sadd.s32 $0x100, s11  }
0x6d: {  	p1 =	sne.s32 s11, $0x1F00;
	v3 =	vld [tilespmem:s2+$0x4800]  }
0x6e: {  	v4 =	vld [tilespmem:s2+$0x4810]  }
0x6f: {  	v5 =	vld [tilespmem:s2+$0x4820]  }
0x70: {  	v6 =	vld [tilespmem:s2+$0x4830];
	_ =	sdelay $0x1  }
0x71: {  	v7 =	vsub.s32 v3, v0  }
0x72: {  	vm1 =	vlt.u32 v7, $0x4000;
	v7 =	vsub.s32 v4, v0  }
0x73: {  	v8 =	vand.u32 $0x3FFF, v3;
	vm2 =	vlt.u32 v7, $0x4000;
	v3 =	vsub.s32 v5, v0  }
0x74: {  	v4 =	vand.u32 $0x3FFF, v4;
	vm3 =	vlt.u32 v3, $0x4000;
	v3 =	vsub.s32 v6, v0  }
0x75: {  	v5 =	vand.u32 $0x3FFF, v5;
	vm0 =	vlt.u32 v3, $0x4000  }
.Ltmp4:
0x76: {  	s2 =	sadd.s32 $0xFFFFFFD0, s12;
	v3 =	vand.u32 $0x3FFF, v6;
	(pc) =	sbr.rel @p1 .LBB2_7-.Ltmp4, $4  }
0x77: {  	v6 =	vor.u32 s2, v2;
	s2 =	sadd.s32 $0xFFFFFFE0, s12  }
0x78: {  	[tilespmem:v8+s3+$0x0] =	vst.idx.msk vm1, v6;
	v6 =	vor.u32 s2, v2;
	s2 =	sadd.s32 $0xFFFFFFF0, s12  }
0x79: {  	[tilespmem:v4+s3+$0x0] =	vst.idx.msk vm2, v6;
	v4 =	vor.u32 s2, v2  }
0x7a: {  	s11 =	smov.u32 s21;
	[tilespmem:v5+s3+$0x0] =	vst.idx.msk vm3, v4;
	v4 =	vor.u32 s12, v2  }
0x7b: {  	_ =	sdelay $0x4  }
0x7c: {  	s2 =	sshra.s32 s20, $0x2;
	[tilespmem:v3+s3+$0x0] =	vst.idx.msk vm0, v4  }
0x7d: {  	v3 =	vld [tilespmem:s2+$0x4800]  }
0x7e: {  	v4 =	vld [tilespmem:s2+$0x4810]  }
0x7f: {  	v5 =	vld [tilespmem:s2+$0x4820]  }
0x80: {  	v6 =	vld [tilespmem:s2+$0x4830];
	_ =	sdelay $0x1  }
0x81: {  	v7 =	vsub.s32 v3, v0  }
0x82: {  	v60 =	vsub.s32 v4, v0;
	vm15 =	vlt.u32 v7, $0x4000  }
0x83: {  	v3 =	vand.u32 $0x3FFF, v3;
	v61 =	vsub.s32 v5, v0;
	vm1 =	vlt.u32 v60, $0x4000  }
0x84: {  	v4 =	vand.u32 $0x3FFF, v4;
	v62 =	vsub.s32 v6, v0;
	vm2 =	vlt.u32 v61, $0x4000  }
0x85: {  	s12 =	sadd.s32 $0x40, s12;
	v5 =	vand.u32 $0x3FFF, v5;
	vm3 =	vlt.u32 v62, $0x4000  }
0x86: {  	s11 =	sadd.s32 $0xFFFFFFD0, s12;
	v6 =	vand.u32 $0x3FFF, v6  }
.Ltmp5:
0x87: {  	s20 =	sadd.s32 $0xFFFFFFE0, s12;
	v63 =	vor.u32 s11, v2;
	(pc) =	sbr.rel @p0 .LBB2_10-.Ltmp5, $4  }
0x88: {  	s21 =	sadd.s32 $0xFFFFFFF0, s12;
	[tilespmem:v3+s3+$0x0] =	vst.idx.msk vm15, v63;
	v3 =	vor.u32 s20, v2  }
0x89: {  	[tilespmem:v4+s3+$0x0] =	vst.idx.msk vm1, v3;
	v3 =	vor.u32 s21, v2  }
0x8a: {  	[tilespmem:v5+s3+$0x0] =	vst.idx.msk vm2, v3;
	v3 =	vor.u32 s12, v2  }
0x8b: {  	[tilespmem:v6+s3+$0x0] =	vst.idx.msk vm3, v3  }
.Ltmp6:
0x8c: {  	(pc) =	sbr.rel .LBB2_4-.Ltmp6, $4  }
0x8d: {  	_ = 	snop  }
0x8e: {  	s2 =	sadd.s32 s14, s10  }
0x8f: {  	s13 =	sadd.s32 $0x1, s13;
	s8 =	sadd.s32 $0x1000, s8;
	s15 =	sadd.s32 $0x1000, s15  }
0x90: {  	[tilespmem:s22], [sflag:$0x2] =	stream.linear.gather [hbm4b:s2+s3], $0x800, $0x200038;
	[tilespmem:$0x1F800] =	vst v63  }
.LBB2_10:
0x91: {  	s8 =	simm.s32 $0x0;
	s2 =	rddreg [dreg:$0x5]  }
0x92: {  	[hbm4b:s2+s8] =	stream.linear.scatter [tilespmem:s8], [sflag:$0x7], $0x4000, $0x200038;
	[tilespmem:$0x1F800] =	vst v63  }
0x93: {  	_ =	swait.ge [sflag:s25], $0x4000  }
0x94: {  	[sflag:s25] =	ssyncset.done $0x0  }
0x95: {  	[sflag:s25] =	ssyncadd.s32 $0xFFFFC000  }
0x96: {  	[bflag:$0x0] =	sbarrier.arrive $0xFFFF  }
0x97: {  	_ =	strace $0x90000048  }
0x98: {  	s13 =	rddreg [dreg:$0x4]  }
0x99: {  	s20 =	simm.s32 $0x4000;
	s14 =	rddreg [dreg:$0x6]  }
0x9a: {  	[tilespmem:s20], [sflag:$0x1] =	stream.linear.gather [hbm4b:s13+s8], $0x800, $0x38;
	[tilespmem:$0x1F800] =	vst v63  }
0x9b: {  	s15 =	rddreg [dreg:$0x7]  }
0x9c: {  	[tilespmem:s22], [sflag:$0x2] =	stream.linear.gather [hbm4b:s14+s8], $0x800, $0x38;
	[tilespmem:$0x1F800] =	vst v63  }
0x9d: {  	s11 =	simm.s32 $0x5000;
	s21 =	rddreg [dreg:$0x8]  }
0x9e: {  	[tilespmem:s11], [sflag:$0x3] =	stream.linear.gather [hbm4b:s15+s8], $0x800, $0x38;
	[tilespmem:$0x1F800] =	vst v63  }
0x9f: {  	s15 =	rddreg [dreg:$0x1]  }
0xa0: {  	[tilespmem:s28], [sflag:$0x4] =	stream.linear.gather [hbm4b:s21+s8], $0x800, $0x38;
	[tilespmem:$0x1F800] =	vst v63  }
.LBB2_11:
0xa1: {  	_ =	strace $0x80000049  }
0xa2: {  	p1 =	seq.s32 s8, $0x0;
	_ =	swait.ge [sflag:s23], $0x800  }
0xa3: {  	s2 =	sshll.u32 @!p1 s8, $0x2;
	[sflag:s23] =	ssyncset.done $0x0  }
0xa4: {  	s13 =	sand.u32 @!p1 $0x7C, s2;
	[sflag:s23] =	ssyncadd.s32 $0xFFFFF800  }
0xa5: {  	p0 =	sne.s32 @!p1 s13, $0x0;
	_ =	strace $0x90000049  }
0xa6: {  	s11 =	simm.s32 @!p1 $0x5;
	p0 =	por p1, !p0;
	_ =	strace @!p1 $0x8000004A  }
0xa7: {  	s2 =	sshrl.u32 @p0 s8, $0x5;
	_ =	swait.ge @!p1 [sflag:s11], $0x800  }
0xa8: {  	s2 =	sadd.s32 @p0 s16, s2;
	[sflag:s11] =	ssyncset.done @!p1 $0x0  }
0xa9: {  	s2 =	smul.u32 @p0 $0x3100, s2;
	[sflag:s11] =	ssyncadd.s32 @!p1 $0xFFFFF800  }
0xaa: {  	_ =	strace @!p1 $0x9000004A  }
0xab: {  	s13 =	simm.s32 @p0 $0x0;
	s2 =	sadd.s32 @p0 s15, s2;
	_ =	strace @p0 $0x8000004B  }
0xac: {  	[tilespmem:s29], [sflag:$0x7] =	stream.linear.gather @p0 [hbm4b:s2+s13], $0x18800, $0x200038;
	[tilespmem:$0x1F800] =	vst v63  }
0xad: {  	_ =	swait.ge @p0 [sflag:s25], $0x18800  }
0xae: {  	[sflag:s25] =	ssyncset.done @p0 $0x0  }
0xaf: {  	[sflag:s25] =	ssyncadd.s32 @p0 $0xFFFE7800  }
0xb0: {  	_ =	strace @p0 $0x9000004B  }
0xb1: {  	s12 =	simm.s32 $0x0;
	p0 =	por $0x1, $0x1;
	_ =	strace $0x8000004C  }
.LBB2_12:
0xb2: {  	v3 =	vld [tilespmem:s12+$0x4000]  }
0xb3: {  	v4 =	vld [tilespmem:s12+$0x4040]  }
0xb4: {  	v13 =	vld [tilespmem:s12+$0x4050]  }
0xb5: {  	v14 =	vld [tilespmem:s12+$0x4060]  }
0xb6: {  	v5 =	vld [tilespmem:s12+$0x4080]  }
0xb7: {  	v6 =	vld [tilespmem:s12+$0x40C0]  }
0xb8: {  	v7 =	vld [tilespmem:s12+$0x4100]  }
0xb9: {  	v8 =	vld [tilespmem:s12+$0x4140]  }
0xba: {  	v9 =	vld [tilespmem:s12+$0x4180]  }
0xbb: {  	v15 =	vld [tilespmem:s12+$0x41C0]  }
0xbc: {  	v10 =	vld [tilespmem:s12+$0x4090]  }
0xbd: {  	v16 =	vld [tilespmem:s12+$0x4030]  }
0xbe: {  	v17 =	vld [tilespmem:s12+$0x4070]  }
0xbf: {  	v18 =	vld [tilespmem:s12+$0x4110]  }
0xc0: {  	v19 =	vld [tilespmem:s12+$0x4150]  }
0xc1: {  	v20 =	vld [tilespmem:s12+$0x4190]  }
0xc2: {  	v21 =	vld [tilespmem:s12+$0x41D0]  }
0xc3: {  	v22 =	vld [tilespmem:s12+$0x40A0]  }
0xc4: {  	v23 =	vld [tilespmem:s12+$0x4120]  }
0xc5: {  	v24 =	vld [tilespmem:s12+$0x4160]  }
0xc6: {  	v25 =	vld [tilespmem:s12+$0x41A0]  }
0xc7: {  	v26 =	vld [tilespmem:s12+$0x41E0]  }
0xc8: {  	v11 =	vld [tilespmem:s12+$0x4200]  }
0xc9: {  	v27 =	vld [tilespmem:s12+$0x4240]  }
0xca: {  	v12 =	vld [tilespmem:s12+$0x40B0]  }
0xcb: {  	v29 =	vld [tilespmem:s12+$0x4130]  }
0xcc: {  	v30 =	vld [tilespmem:s12+$0x4170]  }
0xcd: {  	v31 =	vld [tilespmem:s12+$0x41B0]  }
0xce: {  	v32 =	vld [tilespmem:s12+$0x41F0]  }
0xcf: {  	v33 =	vld [tilespmem:s12+$0x4210]  }
0xd0: {  	v34 =	vld [tilespmem:s12+$0x4250]  }
0xd1: {  	v35 =	vld [tilespmem:s12+$0x43C0]  }
0xd2: {  	v36 =	vld [tilespmem:s12+$0x4260]  }
0xd3: {  	v37 =	vld [tilespmem:s12+$0x4290]  }
0xd4: {  	v38 =	vld [tilespmem:s12+$0x42D0]  }
0xd5: {  	v39 =	vld [tilespmem:s12+$0x4310]  }
0xd6: {  	v40 =	vld [tilespmem:s12+$0x4350]  }
0xd7: {  	v41 =	vld [tilespmem:s12+$0x4390]  }
0xd8: {  	v42 =	vld [tilespmem:s12+$0x43D0]  }
0xd9: {  	v43 =	vld [tilespmem:s12+$0x42A0]  }
0xda: {  	v44 =	vld [tilespmem:s12+$0x42E0]  }
0xdb: {  	v45 =	vld [tilespmem:s12+$0x4320]  }
0xdc: {  	v46 =	vld [tilespmem:s12+$0x4360]  }
0xdd: {  	v47 =	vld [tilespmem:s12+$0x43A0]  }
0xde: {  	v48 =	vld [tilespmem:s12+$0x43E0]  }
0xdf: {  	v49 =	vld [tilespmem:s12+$0x4230]  }
0xe0: {  	v50 =	vld [tilespmem:s12+$0x4270]  }
0xe1: {  	v53 =	vld [tilespmem:s12+$0x42B0]  }
0xe2: {  	v54 =	vld [tilespmem:s12+$0x42F0]  }
0xe3: {  	v55 =	vld [tilespmem:s12+$0x4330]  }
0xe4: {  	v56 =	vld [tilespmem:s12+$0x4370]  }
0xe5: {  	v57 =	vld [tilespmem:s12+$0x43B0]  }
0xe6: {  	v58 =	vld [tilespmem:s12+$0x43F0]  }
0xe7: {  	v3 =	vld.idx.msk [tilespmem:v3+s29+$0x0], $0xffff  }
0xe8: {  	v4 =	vld.idx.msk [tilespmem:v4+s29+$0x0], $0xffff  }
0xe9: {  	v5 =	vld.idx.msk [tilespmem:v5+s29+$0x0], $0xffff  }
0xea: {  	v6 =	vld.idx.msk [tilespmem:v6+s29+$0x0], $0xffff  }
0xeb: {  	v7 =	vld.idx.msk [tilespmem:v7+s29+$0x0], $0xffff  }
0xec: {  	[tilespmem:s12+$0x6000] =	vst v3;
	v3 =	vld [tilespmem:s12+$0x4010]  }
0xed: {  	v8 =	vld.idx.msk [tilespmem:v8+s29+$0x0], $0xffff  }
0xee: {  	v9 =	vld.idx.msk [tilespmem:v9+s29+$0x0], $0xffff  }
0xef: {  	v11 =	vld.idx.msk [tilespmem:v11+s29+$0x0], $0xffff  }
0xf0: {  	v28 =	vld.idx.msk [tilespmem:v27+s29+$0x0], $0xffff  }
0xf1: {  	[tilespmem:s12+$0x6080] =	vst v5;
	v5 =	vld.idx.msk [tilespmem:v15+s29+$0x0], $0xffff  }
0xf2: {  	[tilespmem:s12+$0x6040] =	vst v4;
	v15 =	vld [tilespmem:s12+$0x4300]  }
0xf3: {  	v4 =	vld.idx.msk [tilespmem:v13+s29+$0x0], $0xffff  }
0xf4: {  	v3 =	vld.idx.msk [tilespmem:v3+s29+$0x0], $0xffff  }
0xf5: {  	[tilespmem:s12+$0x6100] =	vst v7;
	v10 =	vld.idx.msk [tilespmem:v10+s29+$0x0], $0xffff  }
0xf6: {  	[tilespmem:s12+$0x6140] =	vst v8;
	v7 =	vld.idx.msk [tilespmem:v18+s29+$0x0], $0xffff  }
0xf7: {  	[tilespmem:s12+$0x6200] =	vst v11;
	v8 =	vld.idx.msk [tilespmem:v19+s29+$0x0], $0xffff  }
0xf8: {  	[tilespmem:s12+$0x6180] =	vst v9;
	v11 =	vld.idx.msk [tilespmem:v33+s29+$0x0], $0xffff  }
0xf9: {  	[tilespmem:s12+$0x6010] =	vst v3;
	v3 =	vld [tilespmem:s12+$0x4020]  }
0xfa: {  	v9 =	vld.idx.msk [tilespmem:v20+s29+$0x0], $0xffff  }
0xfb: {  	v13 =	vld [tilespmem:s12+$0x4280]  }
0xfc: {  	v18 =	vld [tilespmem:s12+$0x4220];
	[tilespmem:s12+$0x61C0] =	vst v5  }
0xfd: {  	[tilespmem:s12+$0x6050] =	vst v4;
	v5 =	vld.idx.msk [tilespmem:v21+s29+$0x0], $0xffff  }
0xfe: {  	[tilespmem:s12+$0x6210] =	vst v11;
	v11 =	vld.idx.msk [tilespmem:v35+s29+$0x0], $0xffff  }
0xff: {  	[tilespmem:s12+$0x6090] =	vst v10;
	v4 =	vld.idx.msk [tilespmem:v14+s29+$0x0], $0xffff  }
0x100: {  	v10 =	vld.idx.msk [tilespmem:v22+s29+$0x0], $0xffff  }
0x101: {  	[tilespmem:s12+$0x6110] =	vst v7;
	v3 =	vld.idx.msk [tilespmem:v3+s29+$0x0], $0xffff  }
0x102: {  	[tilespmem:s12+$0x6150] =	vst v8;
	v7 =	vld.idx.msk [tilespmem:v23+s29+$0x0], $0xffff  }
0x103: {  	[tilespmem:s12+$0x6190] =	vst v9;
	v8 =	vld.idx.msk [tilespmem:v24+s29+$0x0], $0xffff  }
0x104: {  	v9 =	vld.idx.msk [tilespmem:v25+s29+$0x0], $0xffff  }
0x105: {  	v14 =	vld [tilespmem:s12+$0x42C0]  }
0x106: {  	[tilespmem:s12+$0x6020] =	vst v3;
	v3 =	vld [tilespmem:s12+$0x40D0]  }
0x107: {  	v15 =	vld.idx.msk [tilespmem:v15+s29+$0x0], $0xffff  }
0x108: {  	[tilespmem:s12+$0x6240] =	vst v28;
	v13 =	vld.idx.msk [tilespmem:v13+s29+$0x0], $0xffff  }
0x109: {  	v18 =	vld.idx.msk [tilespmem:v18+s29+$0x0], $0xffff;
	[tilespmem:s12+$0x61D0] =	vst v5  }
0x10a: {  	[tilespmem:s12+$0x63C0] =	vst v11;
	v5 =	vld.idx.msk [tilespmem:v26+s29+$0x0], $0xffff  }
0x10b: {  	[tilespmem:s12+$0x6120] =	vst v7;
	v7 =	vld.idx.msk [tilespmem:v34+s29+$0x0], $0xffff  }
0x10c: {  	[tilespmem:s12+$0x6060] =	vst v4;
	v11 =	vld.idx.msk [tilespmem:v42+s29+$0x0], $0xffff  }
0x10d: {  	[tilespmem:s12+$0x60C0] =	vst v6;
	v4 =	vld.idx.msk [tilespmem:v17+s29+$0x0], $0xffff  }
0x10e: {  	[tilespmem:s12+$0x60A0] =	vst v10;
	v3 =	vld.idx.msk [tilespmem:v3+s29+$0x0], $0xffff  }
0x10f: {  	[tilespmem:s12+$0x6160] =	vst v8;
	v12 =	vld.idx.msk [tilespmem:v12+s29+$0x0], $0xffff  }
0x110: {  	[tilespmem:s12+$0x61A0] =	vst v9;
	v10 =	vld.idx.msk [tilespmem:v29+s29+$0x0], $0xffff  }
0x111: {  	v8 =	vld.idx.msk [tilespmem:v30+s29+$0x0], $0xffff;
	[tilespmem:s12+$0x6300] =	vst v15  }
0x112: {  	v9 =	vld.idx.msk [tilespmem:v31+s29+$0x0], $0xffff;
	[tilespmem:s12+$0x6280] =	vst v13  }
0x113: {  	[tilespmem:s12+$0x60D0] =	vst v3;
	v3 =	vld [tilespmem:s12+$0x40E0]  }
0x114: {  	v17 =	vld [tilespmem:s12+$0x4380];
	[tilespmem:s12+$0x6220] =	vst v18  }
0x115: {  	v15 =	vld.idx.msk [tilespmem:v39+s29+$0x0], $0xffff;
	[tilespmem:s12+$0x61E0] =	vst v5  }
0x116: {  	[tilespmem:s12+$0x6250] =	vst v7;
	v6 =	vld.idx.msk [tilespmem:v16+s29+$0x0], $0xffff  }
0x117: {  	[tilespmem:s12+$0x63D0] =	vst v11;
	v16 =	vld [tilespmem:s12+$0x4340]  }
0x118: {  	v14 =	vld.idx.msk [tilespmem:v14+s29+$0x0], $0xffff;
	[tilespmem:s12+$0x6070] =	vst v4  }
0x119: {  	v13 =	vld.idx.msk [tilespmem:v37+s29+$0x0], $0xffff;
	[tilespmem:s12+$0x60B0] =	vst v12  }
0x11a: {  	v5 =	vld.idx.msk [tilespmem:v32+s29+$0x0], $0xffff;
	[tilespmem:s12+$0x6130] =	vst v10  }
0x11b: {  	[tilespmem:s12+$0x6170] =	vst v8;
	v3 =	vld.idx.msk [tilespmem:v3+s29+$0x0], $0xffff  }
0x11c: {  	v7 =	vld.idx.msk [tilespmem:v36+s29+$0x0], $0xffff;
	[tilespmem:s12+$0x61B0] =	vst v9  }
0x11d: {  	v11 =	vld.idx.msk [tilespmem:v48+s29+$0x0], $0xffff;
	[tilespmem:s12+$0x6310] =	vst v15  }
0x11e: {  	[tilespmem:s12+$0x62C0] =	vst v14;
	v17 =	vld.idx.msk [tilespmem:v17+s29+$0x0], $0xffff  }
0x11f: {  	[tilespmem:s12+$0x6290] =	vst v13;
	v16 =	vld.idx.msk [tilespmem:v16+s29+$0x0], $0xffff  }
0x120: {  	[tilespmem:s12+$0x60E0] =	vst v3;
	v3 =	vld [tilespmem:s12+$0x40F0]  }
0x121: {  	v15 =	vld.idx.msk [tilespmem:v45+s29+$0x0], $0xffff;
	[tilespmem:s12+$0x6260] =	vst v7  }
0x122: {  	v14 =	vld.idx.msk [tilespmem:v38+s29+$0x0], $0xffff;
	[tilespmem:s12+$0x63E0] =	vst v11  }
0x123: {  	v13 =	vld.idx.msk [tilespmem:v43+s29+$0x0], $0xffff;
	[tilespmem:s12+$0x61F0] =	vst v5  }
0x124: {  	v7 =	vld.idx.msk [tilespmem:v50+s29+$0x0], $0xffff;
	[tilespmem:s12+$0x6380] =	vst v17  }
0x125: {  	v17 =	vld.idx.msk [tilespmem:v41+s29+$0x0], $0xffff;
	[tilespmem:s12+$0x6340] =	vst v16  }
0x126: {  	[tilespmem:s12+$0x6320] =	vst v15;
	v16 =	vld.idx.msk [tilespmem:v40+s29+$0x0], $0xffff  }
0x127: {  	v63 =	vld.idx.msk [tilespmem:v58+s29+$0x0], $0xffff;
	[tilespmem:s12+$0x62D0] =	vst v14  }
0x128: {  	[tilespmem:s12+$0x62A0] =	vst v13;
	v3 =	vld.idx.msk [tilespmem:v3+s29+$0x0], $0xffff  }
0x129: {  	v61 =	vld.idx.msk [tilespmem:v55+s29+$0x0], $0xffff;
	[tilespmem:s12+$0x6270] =	vst v7  }
0x12a: {  	v14 =	vld.idx.msk [tilespmem:v44+s29+$0x0], $0xffff;
	[tilespmem:s12+$0x6390] =	vst v17  }
0x12b: {  	v52 =	vld.idx.msk [tilespmem:v47+s29+$0x0], $0xffff;
	[tilespmem:s12+$0x6350] =	vst v16  }
0x12c: {  	[tilespmem:s12+$0x63F0] =	vst v63;
	v51 =	vld.idx.msk [tilespmem:v46+s29+$0x0], $0xffff  }
0x12d: {  	[tilespmem:s12+$0x60F0] =	vst v3;
	v3 =	vld.idx.msk [tilespmem:v49+s29+$0x0], $0xffff  }
0x12e: {  	[tilespmem:s12+$0x6330] =	vst v61  }
0x12f: {  	v59 =	vld.idx.msk [tilespmem:v53+s29+$0x0], $0xffff;
	[tilespmem:s12+$0x62E0] =	vst v14  }
0x130: {  	v60 =	vld.idx.msk [tilespmem:v54+s29+$0x0], $0xffff;
	[tilespmem:s12+$0x63A0] =	vst v52  }
0x131: {  	v62 =	vld.idx.msk [tilespmem:v57+s29+$0x0], $0xffff;
	[tilespmem:s12+$0x6360] =	vst v51  }
0x132: {  	p2 =	por p0, p0;
	[tilespmem:s12+$0x6230] =	vst v3;
	v3 =	vld.idx.msk [tilespmem:v56+s29+$0x0], $0xffff  }
.Ltmp7:
0x133: {  	[tilespmem:s12+$0x6030] =	vst v6;
	(pc) =	sbr.rel @p2 .LBB2_12-.Ltmp7, $4  }
0x134: {  	[tilespmem:s12+$0x62B0] =	vst v59  }
0x135: {  	[tilespmem:s12+$0x62F0] =	vst v60  }
0x136: {  	[tilespmem:s12+$0x63B0] =	vst v62  }
0x137: {  	p0 =	por $0x0, $0x0;
	[tilespmem:s12+$0x6370] =	vst v3;
	s12 =	simm.s32 $0x400  }
0x138: {  	s12 =	sshll.u32 s8, $0xD  }
0x139: {  	s2 =	sand.u32 $0xC0000, s12  }
0x13a: {  	s11 =	sshll.u32 s13, $0xB;
	s13 =	sor.u32 s18, s2  }
0x13b: {  	s2 =	sor.u32 s13, s11  }
0x13c: {  	s2 =	sor.u32 s17, s2  }
0x13d: {  	s2 =	sshrl.u32 s2, $0x3  }
0x13e: {  	_ =	strace $0x9000004C;
	p0 =	seq.s32 s8, $0x7F;
	s2 =	sadd.s32 s5, s2  }
0x13f: {  	[hbm4b:s2+s3] =	stream.linear.scatter [tilespmem:s30], [sflag:$0x5], $0x800, $0x38;
	[tilespmem:$0x1F800] =	vst v63  }
0x140: {  	s2 =	sadd.s32 @!p0 $0x2000, s12  }
0x141: {  	s2 =	sand.u32 @!p0 $0x3E000, s2  }
0x142: {  	s2 =	sor.u32 @!p0 s6, s2  }
0x143: {  	s2 =	sshrl.u32 @!p0 s2, $0x3  }
0x144: {  	s14 =	simm.s32 @!p0 $0x4000;
	s11 =	simm.s32 @!p0 $0x0;
	s2 =	sadd.s32 @!p0 s7, s2  }
0x145: {  	[tilespmem:s14], [sflag:$0x1] =	stream.linear.gather @!p0 [hbm4b:s2+s11], $0x800, $0x38;
	[tilespmem:$0x1F800] =	vst v63  }
0x146: {  	_ =	strace $0x8000004D  }
0x147: {  	_ =	swait.ge [sflag:s24], $0x800  }
0x148: {  	[sflag:s24] =	ssyncset.done $0x0  }
0x149: {  	[sflag:s24] =	ssyncadd.s32 $0xFFFFF800  }
0x14a: {  	_ =	strace $0x9000004D  }
0x14b: {  	s2 =	simm.s32 @!p1 $0x6;
	_ =	strace @!p1 $0x8000004E  }
0x14c: {  	_ =	swait.ge @!p1 [sflag:s2], $0x800  }
0x14d: {  	[sflag:s2] =	ssyncset.done @!p1 $0x0  }
0x14e: {  	[sflag:s2] =	ssyncadd.s32 @!p1 $0xFFFFF800  }
0x14f: {  	_ =	strace @!p1 $0x9000004E  }
0x150: {  	s14 =	simm.s32 $0x0;
	p1 =	por $0x1, $0x1;
	_ =	strace $0x80000050  }
.LBB2_14:
0x151: {  	v3 =	vld [tilespmem:s14+$0x4800]  }
0x152: {  	v4 =	vld [tilespmem:s14+$0x4840]  }
0x153: {  	v13 =	vld [tilespmem:s14+$0x4850]  }
0x154: {  	v14 =	vld [tilespmem:s14+$0x4860]  }
0x155: {  	v5 =	vld [tilespmem:s14+$0x4880]  }
0x156: {  	v6 =	vld [tilespmem:s14+$0x48C0]  }
0x157: {  	v7 =	vld [tilespmem:s14+$0x4900]  }
0x158: {  	v8 =	vld [tilespmem:s14+$0x4940]  }
0x159: {  	v9 =	vld [tilespmem:s14+$0x4980]  }
0x15a: {  	v15 =	vld [tilespmem:s14+$0x49C0]  }
0x15b: {  	v10 =	vld [tilespmem:s14+$0x4890]  }
0x15c: {  	v16 =	vld [tilespmem:s14+$0x4830]  }
0x15d: {  	v17 =	vld [tilespmem:s14+$0x4870]  }
0x15e: {  	v18 =	vld [tilespmem:s14+$0x4910]  }
0x15f: {  	v19 =	vld [tilespmem:s14+$0x4950]  }
0x160: {  	v20 =	vld [tilespmem:s14+$0x4990]  }
0x161: {  	v21 =	vld [tilespmem:s14+$0x49D0]  }
0x162: {  	v22 =	vld [tilespmem:s14+$0x48A0]  }
0x163: {  	v23 =	vld [tilespmem:s14+$0x4920]  }
0x164: {  	v24 =	vld [tilespmem:s14+$0x4960]  }
0x165: {  	v25 =	vld [tilespmem:s14+$0x49A0]  }
0x166: {  	v26 =	vld [tilespmem:s14+$0x49E0]  }
0x167: {  	v11 =	vld [tilespmem:s14+$0x4A00]  }
0x168: {  	v27 =	vld [tilespmem:s14+$0x4A40]  }
0x169: {  	v12 =	vld [tilespmem:s14+$0x48B0]  }
0x16a: {  	v29 =	vld [tilespmem:s14+$0x4930]  }
0x16b: {  	v30 =	vld [tilespmem:s14+$0x4970]  }
0x16c: {  	v31 =	vld [tilespmem:s14+$0x49B0]  }
0x16d: {  	v32 =	vld [tilespmem:s14+$0x49F0]  }
0x16e: {  	v33 =	vld [tilespmem:s14+$0x4A10]  }
0x16f: {  	v34 =	vld [tilespmem:s14+$0x4A50]  }
0x170: {  	v35 =	vld [tilespmem:s14+$0x4BC0]  }
0x171: {  	v36 =	vld [tilespmem:s14+$0x4A60]  }
0x172: {  	v37 =	vld [tilespmem:s14+$0x4A90]  }
0x173: {  	v38 =	vld [tilespmem:s14+$0x4AD0]  }
0x174: {  	v39 =	vld [tilespmem:s14+$0x4B10]  }
0x175: {  	v40 =	vld [tilespmem:s14+$0x4B50]  }
0x176: {  	v41 =	vld [tilespmem:s14+$0x4B90]  }
0x177: {  	v42 =	vld [tilespmem:s14+$0x4BD0]  }
0x178: {  	v43 =	vld [tilespmem:s14+$0x4AA0]  }
0x179: {  	v44 =	vld [tilespmem:s14+$0x4AE0]  }
0x17a: {  	v45 =	vld [tilespmem:s14+$0x4B20]  }
0x17b: {  	v46 =	vld [tilespmem:s14+$0x4B60]  }
0x17c: {  	v47 =	vld [tilespmem:s14+$0x4BA0]  }
0x17d: {  	v48 =	vld [tilespmem:s14+$0x4BE0]  }
0x17e: {  	v49 =	vld [tilespmem:s14+$0x4A30]  }
0x17f: {  	v50 =	vld [tilespmem:s14+$0x4A70]  }
0x180: {  	v53 =	vld [tilespmem:s14+$0x4AB0]  }
0x181: {  	v54 =	vld [tilespmem:s14+$0x4AF0]  }
0x182: {  	v55 =	vld [tilespmem:s14+$0x4B30]  }
0x183: {  	v56 =	vld [tilespmem:s14+$0x4B70]  }
0x184: {  	v57 =	vld [tilespmem:s14+$0x4BB0]  }
0x185: {  	v58 =	vld [tilespmem:s14+$0x4BF0]  }
0x186: {  	v3 =	vld.idx.msk [tilespmem:v3+s29+$0x0], $0xffff  }
0x187: {  	v4 =	vld.idx.msk [tilespmem:v4+s29+$0x0], $0xffff  }
0x188: {  	v5 =	vld.idx.msk [tilespmem:v5+s29+$0x0], $0xffff  }
0x189: {  	v6 =	vld.idx.msk [tilespmem:v6+s29+$0x0], $0xffff  }
0x18a: {  	v7 =	vld.idx.msk [tilespmem:v7+s29+$0x0], $0xffff  }
0x18b: {  	[tilespmem:s14+$0x6800] =	vst v3;
	v3 =	vld [tilespmem:s14+$0x4810]  }
0x18c: {  	v8 =	vld.idx.msk [tilespmem:v8+s29+$0x0], $0xffff  }
0x18d: {  	v9 =	vld.idx.msk [tilespmem:v9+s29+$0x0], $0xffff  }
0x18e: {  	v11 =	vld.idx.msk [tilespmem:v11+s29+$0x0], $0xffff  }
0x18f: {  	v28 =	vld.idx.msk [tilespmem:v27+s29+$0x0], $0xffff  }
0x190: {  	[tilespmem:s14+$0x6880] =	vst v5;
	v5 =	vld.idx.msk [tilespmem:v15+s29+$0x0], $0xffff  }
0x191: {  	[tilespmem:s14+$0x6840] =	vst v4;
	v15 =	vld [tilespmem:s14+$0x4B00]  }
0x192: {  	v4 =	vld.idx.msk [tilespmem:v13+s29+$0x0], $0xffff  }
0x193: {  	v3 =	vld.idx.msk [tilespmem:v3+s29+$0x0], $0xffff  }
0x194: {  	[tilespmem:s14+$0x6900] =	vst v7;
	v10 =	vld.idx.msk [tilespmem:v10+s29+$0x0], $0xffff  }
0x195: {  	[tilespmem:s14+$0x6940] =	vst v8;
	v7 =	vld.idx.msk [tilespmem:v18+s29+$0x0], $0xffff  }
0x196: {  	[tilespmem:s14+$0x6A00] =	vst v11;
	v8 =	vld.idx.msk [tilespmem:v19+s29+$0x0], $0xffff  }
0x197: {  	[tilespmem:s14+$0x6980] =	vst v9;
	v11 =	vld.idx.msk [tilespmem:v33+s29+$0x0], $0xffff  }
0x198: {  	[tilespmem:s14+$0x6810] =	vst v3;
	v3 =	vld [tilespmem:s14+$0x4820]  }
0x199: {  	v9 =	vld.idx.msk [tilespmem:v20+s29+$0x0], $0xffff  }
0x19a: {  	v13 =	vld [tilespmem:s14+$0x4A80]  }
0x19b: {  	v18 =	vld [tilespmem:s14+$0x4A20];
	[tilespmem:s14+$0x69C0] =	vst v5  }
0x19c: {  	[tilespmem:s14+$0x6850] =	vst v4;
	v5 =	vld.idx.msk [tilespmem:v21+s29+$0x0], $0xffff  }
0x19d: {  	[tilespmem:s14+$0x6A10] =	vst v11;
	v11 =	vld.idx.msk [tilespmem:v35+s29+$0x0], $0xffff  }
0x19e: {  	[tilespmem:s14+$0x6890] =	vst v10;
	v4 =	vld.idx.msk [tilespmem:v14+s29+$0x0], $0xffff  }
0x19f: {  	v10 =	vld.idx.msk [tilespmem:v22+s29+$0x0], $0xffff  }
0x1a0: {  	[tilespmem:s14+$0x6910] =	vst v7;
	v3 =	vld.idx.msk [tilespmem:v3+s29+$0x0], $0xffff  }
0x1a1: {  	[tilespmem:s14+$0x6950] =	vst v8;
	v7 =	vld.idx.msk [tilespmem:v23+s29+$0x0], $0xffff  }
0x1a2: {  	[tilespmem:s14+$0x6990] =	vst v9;
	v8 =	vld.idx.msk [tilespmem:v24+s29+$0x0], $0xffff  }
0x1a3: {  	v9 =	vld.idx.msk [tilespmem:v25+s29+$0x0], $0xffff  }
0x1a4: {  	v14 =	vld [tilespmem:s14+$0x4AC0]  }
0x1a5: {  	[tilespmem:s14+$0x6820] =	vst v3;
	v3 =	vld [tilespmem:s14+$0x48D0]  }
0x1a6: {  	v15 =	vld.idx.msk [tilespmem:v15+s29+$0x0], $0xffff  }
0x1a7: {  	[tilespmem:s14+$0x6A40] =	vst v28;
	v13 =	vld.idx.msk [tilespmem:v13+s29+$0x0], $0xffff  }
0x1a8: {  	v18 =	vld.idx.msk [tilespmem:v18+s29+$0x0], $0xffff;
	[tilespmem:s14+$0x69D0] =	vst v5  }
0x1a9: {  	[tilespmem:s14+$0x6BC0] =	vst v11;
	v5 =	vld.idx.msk [tilespmem:v26+s29+$0x0], $0xffff  }
0x1aa: {  	[tilespmem:s14+$0x6920] =	vst v7;
	v7 =	vld.idx.msk [tilespmem:v34+s29+$0x0], $0xffff  }
0x1ab: {  	[tilespmem:s14+$0x6860] =	vst v4;
	v11 =	vld.idx.msk [tilespmem:v42+s29+$0x0], $0xffff  }
0x1ac: {  	[tilespmem:s14+$0x68C0] =	vst v6;
	v4 =	vld.idx.msk [tilespmem:v17+s29+$0x0], $0xffff  }
0x1ad: {  	[tilespmem:s14+$0x68A0] =	vst v10;
	v3 =	vld.idx.msk [tilespmem:v3+s29+$0x0], $0xffff  }
0x1ae: {  	[tilespmem:s14+$0x6960] =	vst v8;
	v12 =	vld.idx.msk [tilespmem:v12+s29+$0x0], $0xffff  }
0x1af: {  	[tilespmem:s14+$0x69A0] =	vst v9;
	v10 =	vld.idx.msk [tilespmem:v29+s29+$0x0], $0xffff  }
0x1b0: {  	v8 =	vld.idx.msk [tilespmem:v30+s29+$0x0], $0xffff;
	[tilespmem:s14+$0x6B00] =	vst v15  }
0x1b1: {  	v9 =	vld.idx.msk [tilespmem:v31+s29+$0x0], $0xffff;
	[tilespmem:s14+$0x6A80] =	vst v13  }
0x1b2: {  	[tilespmem:s14+$0x68D0] =	vst v3;
	v3 =	vld [tilespmem:s14+$0x48E0]  }
0x1b3: {  	v17 =	vld [tilespmem:s14+$0x4B80];
	[tilespmem:s14+$0x6A20] =	vst v18  }
0x1b4: {  	v15 =	vld.idx.msk [tilespmem:v39+s29+$0x0], $0xffff;
	[tilespmem:s14+$0x69E0] =	vst v5  }
0x1b5: {  	[tilespmem:s14+$0x6A50] =	vst v7;
	v6 =	vld.idx.msk [tilespmem:v16+s29+$0x0], $0xffff  }
0x1b6: {  	[tilespmem:s14+$0x6BD0] =	vst v11;
	v16 =	vld [tilespmem:s14+$0x4B40]  }
0x1b7: {  	v14 =	vld.idx.msk [tilespmem:v14+s29+$0x0], $0xffff;
	[tilespmem:s14+$0x6870] =	vst v4  }
0x1b8: {  	v13 =	vld.idx.msk [tilespmem:v37+s29+$0x0], $0xffff;
	[tilespmem:s14+$0x68B0] =	vst v12  }
0x1b9: {  	v5 =	vld.idx.msk [tilespmem:v32+s29+$0x0], $0xffff;
	[tilespmem:s14+$0x6930] =	vst v10  }
0x1ba: {  	[tilespmem:s14+$0x6970] =	vst v8;
	v3 =	vld.idx.msk [tilespmem:v3+s29+$0x0], $0xffff  }
0x1bb: {  	v7 =	vld.idx.msk [tilespmem:v36+s29+$0x0], $0xffff;
	[tilespmem:s14+$0x69B0] =	vst v9  }
0x1bc: {  	v11 =	vld.idx.msk [tilespmem:v48+s29+$0x0], $0xffff;
	[tilespmem:s14+$0x6B10] =	vst v15  }
0x1bd: {  	[tilespmem:s14+$0x6AC0] =	vst v14;
	v17 =	vld.idx.msk [tilespmem:v17+s29+$0x0], $0xffff  }
0x1be: {  	[tilespmem:s14+$0x6A90] =	vst v13;
	v16 =	vld.idx.msk [tilespmem:v16+s29+$0x0], $0xffff  }
0x1bf: {  	[tilespmem:s14+$0x68E0] =	vst v3;
	v3 =	vld [tilespmem:s14+$0x48F0]  }
0x1c0: {  	v15 =	vld.idx.msk [tilespmem:v45+s29+$0x0], $0xffff;
	[tilespmem:s14+$0x6A60] =	vst v7  }
0x1c1: {  	v14 =	vld.idx.msk [tilespmem:v38+s29+$0x0], $0xffff;
	[tilespmem:s14+$0x6BE0] =	vst v11  }
0x1c2: {  	v13 =	vld.idx.msk [tilespmem:v43+s29+$0x0], $0xffff;
	[tilespmem:s14+$0x69F0] =	vst v5  }
0x1c3: {  	v7 =	vld.idx.msk [tilespmem:v50+s29+$0x0], $0xffff;
	[tilespmem:s14+$0x6B80] =	vst v17  }
0x1c4: {  	v17 =	vld.idx.msk [tilespmem:v41+s29+$0x0], $0xffff;
	[tilespmem:s14+$0x6B40] =	vst v16  }
0x1c5: {  	[tilespmem:s14+$0x6B20] =	vst v15;
	v16 =	vld.idx.msk [tilespmem:v40+s29+$0x0], $0xffff  }
0x1c6: {  	v63 =	vld.idx.msk [tilespmem:v58+s29+$0x0], $0xffff;
	[tilespmem:s14+$0x6AD0] =	vst v14  }
0x1c7: {  	[tilespmem:s14+$0x6AA0] =	vst v13;
	v3 =	vld.idx.msk [tilespmem:v3+s29+$0x0], $0xffff  }
0x1c8: {  	v61 =	vld.idx.msk [tilespmem:v55+s29+$0x0], $0xffff;
	[tilespmem:s14+$0x6A70] =	vst v7  }
0x1c9: {  	v14 =	vld.idx.msk [tilespmem:v44+s29+$0x0], $0xffff;
	[tilespmem:s14+$0x6B90] =	vst v17  }
0x1ca: {  	v52 =	vld.idx.msk [tilespmem:v47+s29+$0x0], $0xffff;
	[tilespmem:s14+$0x6B50] =	vst v16  }
0x1cb: {  	[tilespmem:s14+$0x6BF0] =	vst v63;
	v51 =	vld.idx.msk [tilespmem:v46+s29+$0x0], $0xffff  }
0x1cc: {  	[tilespmem:s14+$0x68F0] =	vst v3;
	v3 =	vld.idx.msk [tilespmem:v49+s29+$0x0], $0xffff  }
0x1cd: {  	[tilespmem:s14+$0x6B30] =	vst v61  }
0x1ce: {  	v59 =	vld.idx.msk [tilespmem:v53+s29+$0x0], $0xffff;
	[tilespmem:s14+$0x6AE0] =	vst v14  }
0x1cf: {  	v60 =	vld.idx.msk [tilespmem:v54+s29+$0x0], $0xffff;
	[tilespmem:s14+$0x6BA0] =	vst v52  }
0x1d0: {  	v62 =	vld.idx.msk [tilespmem:v57+s29+$0x0], $0xffff;
	[tilespmem:s14+$0x6B60] =	vst v51  }
0x1d1: {  	p2 =	por p1, p1;
	[tilespmem:s14+$0x6A30] =	vst v3;
	v3 =	vld.idx.msk [tilespmem:v56+s29+$0x0], $0xffff  }
.Ltmp8:
0x1d2: {  	[tilespmem:s14+$0x6830] =	vst v6;
	(pc) =	sbr.rel @p2 .LBB2_14-.Ltmp8, $4  }
0x1d3: {  	[tilespmem:s14+$0x6AB0] =	vst v59  }
0x1d4: {  	[tilespmem:s14+$0x6AF0] =	vst v60  }
0x1d5: {  	[tilespmem:s14+$0x6BB0] =	vst v62  }
0x1d6: {  	p1 =	por $0x0, $0x0;
	[tilespmem:s14+$0x6B70] =	vst v3;
	s14 =	simm.s32 $0x400  }
0x1d7: {  	s2 =	sand.u32 $0x3E000, s12  }
0x1d8: {  	s2 =	sor.u32 s17, s2  }
0x1d9: {  	s2 =	sor.u32 s13, s2  }
0x1da: {  	s13 =	sshrl.u32 s2, $0x3  }
0x1db: {  	_ =	strace $0x90000050;
	s2 =	sadd.s32 s13, s19  }
0x1dc: {  	[hbm4b:s2+s3] =	stream.linear.scatter [tilespmem:s31], [sflag:$0x6], $0x800, $0x38;
	[tilespmem:$0x1F800] =	vst v63  }
0x1dd: {  	s2 =	sadd.s32 @!p0 $0x2800, s12  }
0x1de: {  	s2 =	sand.u32 @!p0 $0x3E800, s2  }
0x1df: {  	s2 =	sor.u32 @!p0 s6, s2  }
0x1e0: {  	s2 =	sshrl.u32 @!p0 s2, $0x3  }
0x1e1: {  	s11 =	simm.s32 @!p0 $0x0;
	s14 =	simm.s32 @!p0 $0x4800;
	s2 =	sadd.s32 @!p0 s7, s2  }
0x1e2: {  	[tilespmem:s14], [sflag:$0x2] =	stream.linear.gather @!p0 [hbm4b:s2+s11], $0x800, $0x38;
	[tilespmem:$0x1F800] =	vst v63  }
0x1e3: {  	_ =	strace $0x80000051  }
0x1e4: {  	_ =	swait.ge [sflag:s0], $0x800  }
0x1e5: {  	[sflag:s0] =	ssyncset.done $0x0  }
0x1e6: {  	[sflag:s0] =	ssyncadd.s32 $0xFFFFF800  }
0x1e7: {  	_ =	strace $0x90000051  }
0x1e8: {  	_ =	strace $0x80000052  }
0x1e9: {  	_ =	swait.ge [sflag:s4], $0x800  }
0x1ea: {  	[sflag:s4] =	ssyncset.done $0x0  }
0x1eb: {  	[sflag:s4] =	ssyncadd.s32 $0xFFFFF800  }
0x1ec: {  	_ =	strace $0x90000052  }
0x1ed: {  	p1 =	por $0x1, $0x1;
	s14 =	simm.s32 $0x0;
	_ =	strace $0x80000054  }
.LBB2_16:
0x1ee: {  	v3 =	vld [tilespmem:s14+$0x5000]  }
0x1ef: {  	v4 =	vld [tilespmem:s14+$0x5040]  }
0x1f0: {  	v13 =	vld [tilespmem:s14+$0x5050]  }
0x1f1: {  	v14 =	vld [tilespmem:s14+$0x5060]  }
0x1f2: {  	v5 =	vld [tilespmem:s14+$0x5080]  }
0x1f3: {  	v6 =	vld [tilespmem:s14+$0x50C0]  }
0x1f4: {  	v7 =	vld [tilespmem:s14+$0x5100]  }
0x1f5: {  	v8 =	vld [tilespmem:s14+$0x5140]  }
0x1f6: {  	v9 =	vld [tilespmem:s14+$0x5180]  }
0x1f7: {  	v15 =	vld [tilespmem:s14+$0x51C0]  }
0x1f8: {  	v10 =	vld [tilespmem:s14+$0x5090]  }
0x1f9: {  	v16 =	vld [tilespmem:s14+$0x5030]  }
0x1fa: {  	v17 =	vld [tilespmem:s14+$0x5070]  }
0x1fb: {  	v18 =	vld [tilespmem:s14+$0x5110]  }
0x1fc: {  	v19 =	vld [tilespmem:s14+$0x5150]  }
0x1fd: {  	v20 =	vld [tilespmem:s14+$0x5190]  }
0x1fe: {  	v21 =	vld [tilespmem:s14+$0x51D0]  }
0x1ff: {  	v22 =	vld [tilespmem:s14+$0x50A0]  }
0x200: {  	v23 =	vld [tilespmem:s14+$0x5120]  }
0x201: {  	v24 =	vld [tilespmem:s14+$0x5160]  }
0x202: {  	v25 =	vld [tilespmem:s14+$0x51A0]  }
0x203: {  	v26 =	vld [tilespmem:s14+$0x51E0]  }
0x204: {  	v11 =	vld [tilespmem:s14+$0x5200]  }
0x205: {  	v27 =	vld [tilespmem:s14+$0x5240]  }
0x206: {  	v12 =	vld [tilespmem:s14+$0x50B0]  }
0x207: {  	v29 =	vld [tilespmem:s14+$0x5130]  }
0x208: {  	v30 =	vld [tilespmem:s14+$0x5170]  }
0x209: {  	v31 =	vld [tilespmem:s14+$0x51B0]  }
0x20a: {  	v32 =	vld [tilespmem:s14+$0x51F0]  }
0x20b: {  	v33 =	vld [tilespmem:s14+$0x5210]  }
0x20c: {  	v34 =	vld [tilespmem:s14+$0x5250]  }
0x20d: {  	v35 =	vld [tilespmem:s14+$0x53C0]  }
0x20e: {  	v36 =	vld [tilespmem:s14+$0x5260]  }
0x20f: {  	v37 =	vld [tilespmem:s14+$0x5290]  }
0x210: {  	v38 =	vld [tilespmem:s14+$0x52D0]  }
0x211: {  	v39 =	vld [tilespmem:s14+$0x5310]  }
0x212: {  	v40 =	vld [tilespmem:s14+$0x5350]  }
0x213: {  	v41 =	vld [tilespmem:s14+$0x5390]  }
0x214: {  	v42 =	vld [tilespmem:s14+$0x53D0]  }
0x215: {  	v43 =	vld [tilespmem:s14+$0x52A0]  }
0x216: {  	v44 =	vld [tilespmem:s14+$0x52E0]  }
0x217: {  	v45 =	vld [tilespmem:s14+$0x5320]  }
0x218: {  	v46 =	vld [tilespmem:s14+$0x5360]  }
0x219: {  	v47 =	vld [tilespmem:s14+$0x53A0]  }
0x21a: {  	v48 =	vld [tilespmem:s14+$0x53E0]  }
0x21b: {  	v49 =	vld [tilespmem:s14+$0x5230]  }
0x21c: {  	v50 =	vld [tilespmem:s14+$0x5270]  }
0x21d: {  	v53 =	vld [tilespmem:s14+$0x52B0]  }
0x21e: {  	v54 =	vld [tilespmem:s14+$0x52F0]  }
0x21f: {  	v55 =	vld [tilespmem:s14+$0x5330]  }
0x220: {  	v56 =	vld [tilespmem:s14+$0x5370]  }
0x221: {  	v57 =	vld [tilespmem:s14+$0x53B0]  }
0x222: {  	v58 =	vld [tilespmem:s14+$0x53F0]  }
0x223: {  	v3 =	vld.idx.msk [tilespmem:v3+s29+$0x0], $0xffff  }
0x224: {  	v4 =	vld.idx.msk [tilespmem:v4+s29+$0x0], $0xffff  }
0x225: {  	v5 =	vld.idx.msk [tilespmem:v5+s29+$0x0], $0xffff  }
0x226: {  	v6 =	vld.idx.msk [tilespmem:v6+s29+$0x0], $0xffff  }
0x227: {  	v7 =	vld.idx.msk [tilespmem:v7+s29+$0x0], $0xffff  }
0x228: {  	[tilespmem:s14+$0x6000] =	vst v3;
	v3 =	vld [tilespmem:s14+$0x5010]  }
0x229: {  	v8 =	vld.idx.msk [tilespmem:v8+s29+$0x0], $0xffff  }
0x22a: {  	v9 =	vld.idx.msk [tilespmem:v9+s29+$0x0], $0xffff  }
0x22b: {  	v11 =	vld.idx.msk [tilespmem:v11+s29+$0x0], $0xffff  }
0x22c: {  	v28 =	vld.idx.msk [tilespmem:v27+s29+$0x0], $0xffff  }
0x22d: {  	[tilespmem:s14+$0x6080] =	vst v5;
	v5 =	vld.idx.msk [tilespmem:v15+s29+$0x0], $0xffff  }
0x22e: {  	[tilespmem:s14+$0x6040] =	vst v4;
	v15 =	vld [tilespmem:s14+$0x5300]  }
0x22f: {  	v4 =	vld.idx.msk [tilespmem:v13+s29+$0x0], $0xffff  }
0x230: {  	v3 =	vld.idx.msk [tilespmem:v3+s29+$0x0], $0xffff  }
0x231: {  	[tilespmem:s14+$0x6100] =	vst v7;
	v10 =	vld.idx.msk [tilespmem:v10+s29+$0x0], $0xffff  }
0x232: {  	[tilespmem:s14+$0x6140] =	vst v8;
	v7 =	vld.idx.msk [tilespmem:v18+s29+$0x0], $0xffff  }
0x233: {  	[tilespmem:s14+$0x6200] =	vst v11;
	v8 =	vld.idx.msk [tilespmem:v19+s29+$0x0], $0xffff  }
0x234: {  	[tilespmem:s14+$0x6180] =	vst v9;
	v11 =	vld.idx.msk [tilespmem:v33+s29+$0x0], $0xffff  }
0x235: {  	[tilespmem:s14+$0x6010] =	vst v3;
	v3 =	vld [tilespmem:s14+$0x5020]  }
0x236: {  	v9 =	vld.idx.msk [tilespmem:v20+s29+$0x0], $0xffff  }
0x237: {  	v13 =	vld [tilespmem:s14+$0x5280]  }
0x238: {  	v18 =	vld [tilespmem:s14+$0x5220];
	[tilespmem:s14+$0x61C0] =	vst v5  }
0x239: {  	[tilespmem:s14+$0x6050] =	vst v4;
	v5 =	vld.idx.msk [tilespmem:v21+s29+$0x0], $0xffff  }
0x23a: {  	[tilespmem:s14+$0x6210] =	vst v11;
	v11 =	vld.idx.msk [tilespmem:v35+s29+$0x0], $0xffff  }
0x23b: {  	[tilespmem:s14+$0x6090] =	vst v10;
	v4 =	vld.idx.msk [tilespmem:v14+s29+$0x0], $0xffff  }
0x23c: {  	v10 =	vld.idx.msk [tilespmem:v22+s29+$0x0], $0xffff  }
0x23d: {  	[tilespmem:s14+$0x6110] =	vst v7;
	v3 =	vld.idx.msk [tilespmem:v3+s29+$0x0], $0xffff  }
0x23e: {  	[tilespmem:s14+$0x6150] =	vst v8;
	v7 =	vld.idx.msk [tilespmem:v23+s29+$0x0], $0xffff  }
0x23f: {  	[tilespmem:s14+$0x6190] =	vst v9;
	v8 =	vld.idx.msk [tilespmem:v24+s29+$0x0], $0xffff  }
0x240: {  	v9 =	vld.idx.msk [tilespmem:v25+s29+$0x0], $0xffff  }
0x241: {  	v14 =	vld [tilespmem:s14+$0x52C0]  }
0x242: {  	[tilespmem:s14+$0x6020] =	vst v3;
	v3 =	vld [tilespmem:s14+$0x50D0]  }
0x243: {  	v15 =	vld.idx.msk [tilespmem:v15+s29+$0x0], $0xffff  }
0x244: {  	[tilespmem:s14+$0x6240] =	vst v28;
	v13 =	vld.idx.msk [tilespmem:v13+s29+$0x0], $0xffff  }
0x245: {  	v18 =	vld.idx.msk [tilespmem:v18+s29+$0x0], $0xffff;
	[tilespmem:s14+$0x61D0] =	vst v5  }
0x246: {  	[tilespmem:s14+$0x63C0] =	vst v11;
	v5 =	vld.idx.msk [tilespmem:v26+s29+$0x0], $0xffff  }
0x247: {  	[tilespmem:s14+$0x6120] =	vst v7;
	v7 =	vld.idx.msk [tilespmem:v34+s29+$0x0], $0xffff  }
0x248: {  	[tilespmem:s14+$0x6060] =	vst v4;
	v11 =	vld.idx.msk [tilespmem:v42+s29+$0x0], $0xffff  }
0x249: {  	[tilespmem:s14+$0x60C0] =	vst v6;
	v4 =	vld.idx.msk [tilespmem:v17+s29+$0x0], $0xffff  }
0x24a: {  	[tilespmem:s14+$0x60A0] =	vst v10;
	v3 =	vld.idx.msk [tilespmem:v3+s29+$0x0], $0xffff  }
0x24b: {  	[tilespmem:s14+$0x6160] =	vst v8;
	v12 =	vld.idx.msk [tilespmem:v12+s29+$0x0], $0xffff  }
0x24c: {  	[tilespmem:s14+$0x61A0] =	vst v9;
	v10 =	vld.idx.msk [tilespmem:v29+s29+$0x0], $0xffff  }
0x24d: {  	v8 =	vld.idx.msk [tilespmem:v30+s29+$0x0], $0xffff;
	[tilespmem:s14+$0x6300] =	vst v15  }
0x24e: {  	v9 =	vld.idx.msk [tilespmem:v31+s29+$0x0], $0xffff;
	[tilespmem:s14+$0x6280] =	vst v13  }
0x24f: {  	[tilespmem:s14+$0x60D0] =	vst v3;
	v3 =	vld [tilespmem:s14+$0x50E0]  }
0x250: {  	v17 =	vld [tilespmem:s14+$0x5380];
	[tilespmem:s14+$0x6220] =	vst v18  }
0x251: {  	v15 =	vld.idx.msk [tilespmem:v39+s29+$0x0], $0xffff;
	[tilespmem:s14+$0x61E0] =	vst v5  }
0x252: {  	[tilespmem:s14+$0x6250] =	vst v7;
	v6 =	vld.idx.msk [tilespmem:v16+s29+$0x0], $0xffff  }
0x253: {  	[tilespmem:s14+$0x63D0] =	vst v11;
	v16 =	vld [tilespmem:s14+$0x5340]  }
0x254: {  	v14 =	vld.idx.msk [tilespmem:v14+s29+$0x0], $0xffff;
	[tilespmem:s14+$0x6070] =	vst v4  }
0x255: {  	v13 =	vld.idx.msk [tilespmem:v37+s29+$0x0], $0xffff;
	[tilespmem:s14+$0x60B0] =	vst v12  }
0x256: {  	v5 =	vld.idx.msk [tilespmem:v32+s29+$0x0], $0xffff;
	[tilespmem:s14+$0x6130] =	vst v10  }
0x257: {  	[tilespmem:s14+$0x6170] =	vst v8;
	v3 =	vld.idx.msk [tilespmem:v3+s29+$0x0], $0xffff  }
0x258: {  	v7 =	vld.idx.msk [tilespmem:v36+s29+$0x0], $0xffff;
	[tilespmem:s14+$0x61B0] =	vst v9  }
0x259: {  	v11 =	vld.idx.msk [tilespmem:v48+s29+$0x0], $0xffff;
	[tilespmem:s14+$0x6310] =	vst v15  }
0x25a: {  	[tilespmem:s14+$0x62C0] =	vst v14;
	v17 =	vld.idx.msk [tilespmem:v17+s29+$0x0], $0xffff  }
0x25b: {  	[tilespmem:s14+$0x6290] =	vst v13;
	v16 =	vld.idx.msk [tilespmem:v16+s29+$0x0], $0xffff  }
0x25c: {  	[tilespmem:s14+$0x60E0] =	vst v3;
	v3 =	vld [tilespmem:s14+$0x50F0]  }
0x25d: {  	v15 =	vld.idx.msk [tilespmem:v45+s29+$0x0], $0xffff;
	[tilespmem:s14+$0x6260] =	vst v7  }
0x25e: {  	v14 =	vld.idx.msk [tilespmem:v38+s29+$0x0], $0xffff;
	[tilespmem:s14+$0x63E0] =	vst v11  }
0x25f: {  	v13 =	vld.idx.msk [tilespmem:v43+s29+$0x0], $0xffff;
	[tilespmem:s14+$0x61F0] =	vst v5  }
0x260: {  	v7 =	vld.idx.msk [tilespmem:v50+s29+$0x0], $0xffff;
	[tilespmem:s14+$0x6380] =	vst v17  }
0x261: {  	v17 =	vld.idx.msk [tilespmem:v41+s29+$0x0], $0xffff;
	[tilespmem:s14+$0x6340] =	vst v16  }
0x262: {  	[tilespmem:s14+$0x6320] =	vst v15;
	v16 =	vld.idx.msk [tilespmem:v40+s29+$0x0], $0xffff  }
0x263: {  	v63 =	vld.idx.msk [tilespmem:v58+s29+$0x0], $0xffff;
	[tilespmem:s14+$0x62D0] =	vst v14  }
0x264: {  	[tilespmem:s14+$0x62A0] =	vst v13;
	v3 =	vld.idx.msk [tilespmem:v3+s29+$0x0], $0xffff  }
0x265: {  	v61 =	vld.idx.msk [tilespmem:v55+s29+$0x0], $0xffff;
	[tilespmem:s14+$0x6270] =	vst v7  }
0x266: {  	v14 =	vld.idx.msk [tilespmem:v44+s29+$0x0], $0xffff;
	[tilespmem:s14+$0x6390] =	vst v17  }
0x267: {  	v52 =	vld.idx.msk [tilespmem:v47+s29+$0x0], $0xffff;
	[tilespmem:s14+$0x6350] =	vst v16  }
0x268: {  	[tilespmem:s14+$0x63F0] =	vst v63;
	v51 =	vld.idx.msk [tilespmem:v46+s29+$0x0], $0xffff  }
0x269: {  	[tilespmem:s14+$0x60F0] =	vst v3;
	v3 =	vld.idx.msk [tilespmem:v49+s29+$0x0], $0xffff  }
0x26a: {  	[tilespmem:s14+$0x6330] =	vst v61  }
0x26b: {  	v59 =	vld.idx.msk [tilespmem:v53+s29+$0x0], $0xffff;
	[tilespmem:s14+$0x62E0] =	vst v14  }
0x26c: {  	v60 =	vld.idx.msk [tilespmem:v54+s29+$0x0], $0xffff;
	[tilespmem:s14+$0x63A0] =	vst v52  }
0x26d: {  	v62 =	vld.idx.msk [tilespmem:v57+s29+$0x0], $0xffff;
	[tilespmem:s14+$0x6360] =	vst v51  }
0x26e: {  	p2 =	por p1, p1;
	[tilespmem:s14+$0x6230] =	vst v3;
	v3 =	vld.idx.msk [tilespmem:v56+s29+$0x0], $0xffff  }
.Ltmp9:
0x26f: {  	[tilespmem:s14+$0x6030] =	vst v6;
	(pc) =	sbr.rel @p2 .LBB2_16-.Ltmp9, $4  }
0x270: {  	[tilespmem:s14+$0x62B0] =	vst v59  }
0x271: {  	[tilespmem:s14+$0x62F0] =	vst v60  }
0x272: {  	[tilespmem:s14+$0x63B0] =	vst v62  }
0x273: {  	p1 =	por $0x0, $0x0;
	[tilespmem:s14+$0x6370] =	vst v3;
	s14 =	simm.s32 $0x400  }
0x274: {  	s13 =	sor.u32 $0x200, s13  }
0x275: {  	_ =	strace $0x90000054;
	s2 =	sadd.s32 s5, s13  }
0x276: {  	[hbm4b:s2+s3] =	stream.linear.scatter [tilespmem:s30], [sflag:$0x5], $0x800, $0x38;
	[tilespmem:$0x1F800] =	vst v63  }
0x277: {  	s2 =	sadd.s32 @!p0 $0x3000, s12  }
0x278: {  	s2 =	sand.u32 @!p0 $0x3F000, s2  }
0x279: {  	s2 =	sor.u32 @!p0 s6, s2  }
0x27a: {  	s2 =	sshrl.u32 @!p0 s2, $0x3  }
0x27b: {  	s11 =	simm.s32 @!p0 $0x0;
	s14 =	simm.s32 @!p0 $0x5000;
	s2 =	sadd.s32 @!p0 s7, s2  }
0x27c: {  	[tilespmem:s14], [sflag:$0x3] =	stream.linear.gather @!p0 [hbm4b:s2+s11], $0x800, $0x38;
	[tilespmem:$0x1F800] =	vst v63  }
0x27d: {  	_ =	strace $0x80000055  }
0x27e: {  	_ =	swait.ge [sflag:s26], $0x800  }
0x27f: {  	[sflag:s26] =	ssyncset.done $0x0  }
0x280: {  	[sflag:s26] =	ssyncadd.s32 $0xFFFFF800  }
0x281: {  	_ =	strace $0x90000055  }
0x282: {  	_ =	strace $0x80000056  }
0x283: {  	_ =	swait.ge [sflag:s1], $0x800  }
0x284: {  	[sflag:s1] =	ssyncset.done $0x0  }
0x285: {  	[sflag:s1] =	ssyncadd.s32 $0xFFFFF800  }
0x286: {  	_ =	strace $0x90000056  }
0x287: {  	p1 =	por $0x1, $0x1;
	s14 =	simm.s32 $0x0;
	_ =	strace $0x80000058  }
.LBB2_18:
0x288: {  	v3 =	vld [tilespmem:s14+$0x5800]  }
0x289: {  	v4 =	vld [tilespmem:s14+$0x5840]  }
0x28a: {  	v13 =	vld [tilespmem:s14+$0x5850]  }
0x28b: {  	v14 =	vld [tilespmem:s14+$0x5860]  }
0x28c: {  	v5 =	vld [tilespmem:s14+$0x5880]  }
0x28d: {  	v6 =	vld [tilespmem:s14+$0x58C0]  }
0x28e: {  	v7 =	vld [tilespmem:s14+$0x5900]  }
0x28f: {  	v8 =	vld [tilespmem:s14+$0x5940]  }
0x290: {  	v9 =	vld [tilespmem:s14+$0x5980]  }
0x291: {  	v15 =	vld [tilespmem:s14+$0x59C0]  }
0x292: {  	v10 =	vld [tilespmem:s14+$0x5890]  }
0x293: {  	v16 =	vld [tilespmem:s14+$0x5830]  }
0x294: {  	v17 =	vld [tilespmem:s14+$0x5870]  }
0x295: {  	v18 =	vld [tilespmem:s14+$0x5910]  }
0x296: {  	v19 =	vld [tilespmem:s14+$0x5950]  }
0x297: {  	v20 =	vld [tilespmem:s14+$0x5990]  }
0x298: {  	v21 =	vld [tilespmem:s14+$0x59D0]  }
0x299: {  	v22 =	vld [tilespmem:s14+$0x58A0]  }
0x29a: {  	v23 =	vld [tilespmem:s14+$0x5920]  }
0x29b: {  	v24 =	vld [tilespmem:s14+$0x5960]  }
0x29c: {  	v25 =	vld [tilespmem:s14+$0x59A0]  }
0x29d: {  	v26 =	vld [tilespmem:s14+$0x59E0]  }
0x29e: {  	v11 =	vld [tilespmem:s14+$0x5A00]  }
0x29f: {  	v27 =	vld [tilespmem:s14+$0x5A40]  }
0x2a0: {  	v12 =	vld [tilespmem:s14+$0x58B0]  }
0x2a1: {  	v29 =	vld [tilespmem:s14+$0x5930]  }
0x2a2: {  	v30 =	vld [tilespmem:s14+$0x5970]  }
0x2a3: {  	v31 =	vld [tilespmem:s14+$0x59B0]  }
0x2a4: {  	v32 =	vld [tilespmem:s14+$0x59F0]  }
0x2a5: {  	v33 =	vld [tilespmem:s14+$0x5A10]  }
0x2a6: {  	v34 =	vld [tilespmem:s14+$0x5A50]  }
0x2a7: {  	v35 =	vld [tilespmem:s14+$0x5BC0]  }
0x2a8: {  	v36 =	vld [tilespmem:s14+$0x5A60]  }
0x2a9: {  	v37 =	vld [tilespmem:s14+$0x5A90]  }
0x2aa: {  	v38 =	vld [tilespmem:s14+$0x5AD0]  }
0x2ab: {  	v39 =	vld [tilespmem:s14+$0x5B10]  }
0x2ac: {  	v40 =	vld [tilespmem:s14+$0x5B50]  }
0x2ad: {  	v41 =	vld [tilespmem:s14+$0x5B90]  }
0x2ae: {  	v42 =	vld [tilespmem:s14+$0x5BD0]  }
0x2af: {  	v43 =	vld [tilespmem:s14+$0x5AA0]  }
0x2b0: {  	v44 =	vld [tilespmem:s14+$0x5AE0]  }
0x2b1: {  	v45 =	vld [tilespmem:s14+$0x5B20]  }
0x2b2: {  	v46 =	vld [tilespmem:s14+$0x5B60]  }
0x2b3: {  	v47 =	vld [tilespmem:s14+$0x5BA0]  }
0x2b4: {  	v48 =	vld [tilespmem:s14+$0x5BE0]  }
0x2b5: {  	v49 =	vld [tilespmem:s14+$0x5A30]  }
0x2b6: {  	v50 =	vld [tilespmem:s14+$0x5A70]  }
0x2b7: {  	v53 =	vld [tilespmem:s14+$0x5AB0]  }
0x2b8: {  	v54 =	vld [tilespmem:s14+$0x5AF0]  }
0x2b9: {  	v55 =	vld [tilespmem:s14+$0x5B30]  }
0x2ba: {  	v56 =	vld [tilespmem:s14+$0x5B70]  }
0x2bb: {  	v57 =	vld [tilespmem:s14+$0x5BB0]  }
0x2bc: {  	v58 =	vld [tilespmem:s14+$0x5BF0]  }
0x2bd: {  	v3 =	vld.idx.msk [tilespmem:v3+s29+$0x0], $0xffff  }
0x2be: {  	v4 =	vld.idx.msk [tilespmem:v4+s29+$0x0], $0xffff  }
0x2bf: {  	v5 =	vld.idx.msk [tilespmem:v5+s29+$0x0], $0xffff  }
0x2c0: {  	v6 =	vld.idx.msk [tilespmem:v6+s29+$0x0], $0xffff  }
0x2c1: {  	v7 =	vld.idx.msk [tilespmem:v7+s29+$0x0], $0xffff  }
0x2c2: {  	[tilespmem:s14+$0x6800] =	vst v3;
	v3 =	vld [tilespmem:s14+$0x5810]  }
0x2c3: {  	v8 =	vld.idx.msk [tilespmem:v8+s29+$0x0], $0xffff  }
0x2c4: {  	v9 =	vld.idx.msk [tilespmem:v9+s29+$0x0], $0xffff  }
0x2c5: {  	v11 =	vld.idx.msk [tilespmem:v11+s29+$0x0], $0xffff  }
0x2c6: {  	v28 =	vld.idx.msk [tilespmem:v27+s29+$0x0], $0xffff  }
0x2c7: {  	[tilespmem:s14+$0x6880] =	vst v5;
	v5 =	vld.idx.msk [tilespmem:v15+s29+$0x0], $0xffff  }
0x2c8: {  	[tilespmem:s14+$0x6840] =	vst v4;
	v15 =	vld [tilespmem:s14+$0x5B00]  }
0x2c9: {  	v4 =	vld.idx.msk [tilespmem:v13+s29+$0x0], $0xffff  }
0x2ca: {  	v3 =	vld.idx.msk [tilespmem:v3+s29+$0x0], $0xffff  }
0x2cb: {  	[tilespmem:s14+$0x6900] =	vst v7;
	v10 =	vld.idx.msk [tilespmem:v10+s29+$0x0], $0xffff  }
0x2cc: {  	[tilespmem:s14+$0x6940] =	vst v8;
	v7 =	vld.idx.msk [tilespmem:v18+s29+$0x0], $0xffff  }
0x2cd: {  	[tilespmem:s14+$0x6A00] =	vst v11;
	v8 =	vld.idx.msk [tilespmem:v19+s29+$0x0], $0xffff  }
0x2ce: {  	[tilespmem:s14+$0x6980] =	vst v9;
	v11 =	vld.idx.msk [tilespmem:v33+s29+$0x0], $0xffff  }
0x2cf: {  	[tilespmem:s14+$0x6810] =	vst v3;
	v3 =	vld [tilespmem:s14+$0x5820]  }
0x2d0: {  	v9 =	vld.idx.msk [tilespmem:v20+s29+$0x0], $0xffff  }
0x2d1: {  	v13 =	vld [tilespmem:s14+$0x5A80]  }
0x2d2: {  	v18 =	vld [tilespmem:s14+$0x5A20];
	[tilespmem:s14+$0x69C0] =	vst v5  }
0x2d3: {  	[tilespmem:s14+$0x6850] =	vst v4;
	v5 =	vld.idx.msk [tilespmem:v21+s29+$0x0], $0xffff  }
0x2d4: {  	[tilespmem:s14+$0x6A10] =	vst v11;
	v11 =	vld.idx.msk [tilespmem:v35+s29+$0x0], $0xffff  }
0x2d5: {  	[tilespmem:s14+$0x6890] =	vst v10;
	v4 =	vld.idx.msk [tilespmem:v14+s29+$0x0], $0xffff  }
0x2d6: {  	v10 =	vld.idx.msk [tilespmem:v22+s29+$0x0], $0xffff  }
0x2d7: {  	[tilespmem:s14+$0x6910] =	vst v7;
	v3 =	vld.idx.msk [tilespmem:v3+s29+$0x0], $0xffff  }
0x2d8: {  	[tilespmem:s14+$0x6950] =	vst v8;
	v7 =	vld.idx.msk [tilespmem:v23+s29+$0x0], $0xffff  }
0x2d9: {  	[tilespmem:s14+$0x6990] =	vst v9;
	v8 =	vld.idx.msk [tilespmem:v24+s29+$0x0], $0xffff  }
0x2da: {  	v9 =	vld.idx.msk [tilespmem:v25+s29+$0x0], $0xffff  }
0x2db: {  	v14 =	vld [tilespmem:s14+$0x5AC0]  }
0x2dc: {  	[tilespmem:s14+$0x6820] =	vst v3;
	v3 =	vld [tilespmem:s14+$0x58D0]  }
0x2dd: {  	v15 =	vld.idx.msk [tilespmem:v15+s29+$0x0], $0xffff  }
0x2de: {  	[tilespmem:s14+$0x6A40] =	vst v28;
	v13 =	vld.idx.msk [tilespmem:v13+s29+$0x0], $0xffff  }
0x2df: {  	v18 =	vld.idx.msk [tilespmem:v18+s29+$0x0], $0xffff;
	[tilespmem:s14+$0x69D0] =	vst v5  }
0x2e0: {  	[tilespmem:s14+$0x6BC0] =	vst v11;
	v5 =	vld.idx.msk [tilespmem:v26+s29+$0x0], $0xffff  }
0x2e1: {  	[tilespmem:s14+$0x6920] =	vst v7;
	v7 =	vld.idx.msk [tilespmem:v34+s29+$0x0], $0xffff  }
0x2e2: {  	[tilespmem:s14+$0x6860] =	vst v4;
	v11 =	vld.idx.msk [tilespmem:v42+s29+$0x0], $0xffff  }
0x2e3: {  	[tilespmem:s14+$0x68C0] =	vst v6;
	v4 =	vld.idx.msk [tilespmem:v17+s29+$0x0], $0xffff  }
0x2e4: {  	[tilespmem:s14+$0x68A0] =	vst v10;
	v3 =	vld.idx.msk [tilespmem:v3+s29+$0x0], $0xffff  }
0x2e5: {  	[tilespmem:s14+$0x6960] =	vst v8;
	v12 =	vld.idx.msk [tilespmem:v12+s29+$0x0], $0xffff  }
0x2e6: {  	[tilespmem:s14+$0x69A0] =	vst v9;
	v10 =	vld.idx.msk [tilespmem:v29+s29+$0x0], $0xffff  }
0x2e7: {  	v8 =	vld.idx.msk [tilespmem:v30+s29+$0x0], $0xffff;
	[tilespmem:s14+$0x6B00] =	vst v15  }
0x2e8: {  	v9 =	vld.idx.msk [tilespmem:v31+s29+$0x0], $0xffff;
	[tilespmem:s14+$0x6A80] =	vst v13  }
0x2e9: {  	[tilespmem:s14+$0x68D0] =	vst v3;
	v3 =	vld [tilespmem:s14+$0x58E0]  }
0x2ea: {  	v17 =	vld [tilespmem:s14+$0x5B80];
	[tilespmem:s14+$0x6A20] =	vst v18  }
0x2eb: {  	v15 =	vld.idx.msk [tilespmem:v39+s29+$0x0], $0xffff;
	[tilespmem:s14+$0x69E0] =	vst v5  }
0x2ec: {  	[tilespmem:s14+$0x6A50] =	vst v7;
	v6 =	vld.idx.msk [tilespmem:v16+s29+$0x0], $0xffff  }
0x2ed: {  	[tilespmem:s14+$0x6BD0] =	vst v11;
	v16 =	vld [tilespmem:s14+$0x5B40]  }
0x2ee: {  	v14 =	vld.idx.msk [tilespmem:v14+s29+$0x0], $0xffff;
	[tilespmem:s14+$0x6870] =	vst v4  }
0x2ef: {  	v13 =	vld.idx.msk [tilespmem:v37+s29+$0x0], $0xffff;
	[tilespmem:s14+$0x68B0] =	vst v12  }
0x2f0: {  	v5 =	vld.idx.msk [tilespmem:v32+s29+$0x0], $0xffff;
	[tilespmem:s14+$0x6930] =	vst v10  }
0x2f1: {  	[tilespmem:s14+$0x6970] =	vst v8;
	v3 =	vld.idx.msk [tilespmem:v3+s29+$0x0], $0xffff  }
0x2f2: {  	v7 =	vld.idx.msk [tilespmem:v36+s29+$0x0], $0xffff;
	[tilespmem:s14+$0x69B0] =	vst v9  }
0x2f3: {  	v11 =	vld.idx.msk [tilespmem:v48+s29+$0x0], $0xffff;
	[tilespmem:s14+$0x6B10] =	vst v15  }
0x2f4: {  	[tilespmem:s14+$0x6AC0] =	vst v14;
	v17 =	vld.idx.msk [tilespmem:v17+s29+$0x0], $0xffff  }
0x2f5: {  	[tilespmem:s14+$0x6A90] =	vst v13;
	v16 =	vld.idx.msk [tilespmem:v16+s29+$0x0], $0xffff  }
0x2f6: {  	[tilespmem:s14+$0x68E0] =	vst v3;
	v3 =	vld [tilespmem:s14+$0x58F0]  }
0x2f7: {  	v15 =	vld.idx.msk [tilespmem:v45+s29+$0x0], $0xffff;
	[tilespmem:s14+$0x6A60] =	vst v7  }
0x2f8: {  	v14 =	vld.idx.msk [tilespmem:v38+s29+$0x0], $0xffff;
	[tilespmem:s14+$0x6BE0] =	vst v11  }
0x2f9: {  	v13 =	vld.idx.msk [tilespmem:v43+s29+$0x0], $0xffff;
	[tilespmem:s14+$0x69F0] =	vst v5  }
0x2fa: {  	v7 =	vld.idx.msk [tilespmem:v50+s29+$0x0], $0xffff;
	[tilespmem:s14+$0x6B80] =	vst v17  }
0x2fb: {  	v17 =	vld.idx.msk [tilespmem:v41+s29+$0x0], $0xffff;
	[tilespmem:s14+$0x6B40] =	vst v16  }
0x2fc: {  	[tilespmem:s14+$0x6B20] =	vst v15;
	v16 =	vld.idx.msk [tilespmem:v40+s29+$0x0], $0xffff  }
0x2fd: {  	v63 =	vld.idx.msk [tilespmem:v58+s29+$0x0], $0xffff;
	[tilespmem:s14+$0x6AD0] =	vst v14  }
0x2fe: {  	[tilespmem:s14+$0x6AA0] =	vst v13;
	v3 =	vld.idx.msk [tilespmem:v3+s29+$0x0], $0xffff  }
0x2ff: {  	v61 =	vld.idx.msk [tilespmem:v55+s29+$0x0], $0xffff;
	[tilespmem:s14+$0x6A70] =	vst v7  }
0x300: {  	v14 =	vld.idx.msk [tilespmem:v44+s29+$0x0], $0xffff;
	[tilespmem:s14+$0x6B90] =	vst v17  }
0x301: {  	v52 =	vld.idx.msk [tilespmem:v47+s29+$0x0], $0xffff;
	[tilespmem:s14+$0x6B50] =	vst v16  }
0x302: {  	[tilespmem:s14+$0x6BF0] =	vst v63;
	v51 =	vld.idx.msk [tilespmem:v46+s29+$0x0], $0xffff  }
0x303: {  	[tilespmem:s14+$0x68F0] =	vst v3;
	v3 =	vld.idx.msk [tilespmem:v49+s29+$0x0], $0xffff  }
0x304: {  	[tilespmem:s14+$0x6B30] =	vst v61  }
0x305: {  	v59 =	vld.idx.msk [tilespmem:v53+s29+$0x0], $0xffff;
	[tilespmem:s14+$0x6AE0] =	vst v14  }
0x306: {  	v60 =	vld.idx.msk [tilespmem:v54+s29+$0x0], $0xffff;
	[tilespmem:s14+$0x6BA0] =	vst v52  }
0x307: {  	v62 =	vld.idx.msk [tilespmem:v57+s29+$0x0], $0xffff;
	[tilespmem:s14+$0x6B60] =	vst v51  }
0x308: {  	p2 =	por p1, p1;
	[tilespmem:s14+$0x6A30] =	vst v3;
	v3 =	vld.idx.msk [tilespmem:v56+s29+$0x0], $0xffff  }
.Ltmp10:
0x309: {  	[tilespmem:s14+$0x6830] =	vst v6;
	(pc) =	sbr.rel @p2 .LBB2_18-.Ltmp10, $4  }
0x30a: {  	[tilespmem:s14+$0x6AB0] =	vst v59  }
0x30b: {  	[tilespmem:s14+$0x6AF0] =	vst v60  }
0x30c: {  	[tilespmem:s14+$0x6BB0] =	vst v62  }
0x30d: {  	p1 =	por $0x0, $0x0;
	[tilespmem:s14+$0x6B70] =	vst v3;
	s14 =	simm.s32 $0x400  }
.Ltmp11:
0x30e: {  	(pc) =	sbr.rel @p0 .LBB2_21-.Ltmp11, $3  }
0x30f: {  	_ =	sdelay $0x1  }
0x310: {  	_ =	strace $0x90000058;
	s2 =	sadd.s32 s13, s19  }
0x311: {  	[hbm4b:s2+s3] =	stream.linear.scatter [tilespmem:s31], [sflag:$0x6], $0x800, $0x38;
	[tilespmem:$0x1F800] =	vst v63  }
0x312: {  	s2 =	sadd.s32 $0x3800, s12  }
.Ltmp12:
0x313: {  	s2 =	sand.u32 $0x3F800, s2;
	(pc) =	sbr.rel .LBB2_11-.Ltmp12, $4  }
0x314: {  	s2 =	sor.u32 s6, s2  }
0x315: {  	s2 =	sshrl.u32 s2, $0x3  }
0x316: {  	s8 =	sadd.s32 $0x1, s8;
	s2 =	sadd.s32 s7, s2  }
0x317: {  	[tilespmem:s28], [sflag:$0x4] =	stream.linear.gather [hbm4b:s2+s3], $0x800, $0x38;
	[tilespmem:$0x1F800] =	vst v63  }
.LBB2_22:
0x318: {  	_ =	sfence.sel $0x180000  }
0x319: {  	[bflag:$0x0] =	sbarrier.arrive $0xFFFF  }
0x31a: {  	_ =	strace $0x90000047  }
0x31b: {  	s0 =	stileid.u32;
	[bflag:$0x2] =	sbarrier.arrive $0xFFFF  }
0x31c: {  	p0 =	sne.s32 s0, $0x0;
	s0 =	rddreg [dreg:$0x2]  }
0x31d: {  	s0 =	sadd.s32 @!p0 $0x100000, s0  }
0x31e: {  	[sflag:s0] =	ssyncadd.tile.s32 @!p0 $0x1;
	_ =	shalt  }
.Lfunc_end2:
_tile_overlayer_lowered:
.L_overlay_start_2:
0x31f: {  	(tag) =	ssettag $0x2  }
0x320: {  	s0 =	rddreg [dreg:$0x0];
	s2 =	stileid.u32  }
0x321: {  	s1 =	rddreg [dreg:$0x1];
	p0 =	sne.s32 s2, $0x0  }
0x322: {  	s3 =	rddreg [dreg:$0x2];
	[bflag:$0x3] =	sbarrier.arrive $0xFFFF;
	s2 =	simm.s32 @!p0 $0x1C07  }
0x323: {  	[timem:s3], [sflag:s2] =	dma.local @!p0 [hbm:s0], s1  }
0x324: {  	s0 =	simm.s32 @!p0 $0x7  }
0x325: {  	_ =	swait.ge @!p0 [sflag:s0], s1  }
0x326: {  	s1 =	ssub.s32 @!p0 $0x0, s1;
	[sflag:s0] =	ssyncset.done @!p0 $0x0  }
0x327: {  	[sflag:s0] =	ssyncadd.s32 @!p0 s1  }
0x328: {  	[bflag:$0x3] =	sbarrier.arrive $0xFFFF  }
0x329: {  	_ =	shalt  }

</sc_bundles>
